<compile_context>
chip_gen: v7x
topology: tpu7x:2x2x1
jax: 0.10.2.dev20260603
libtpu: 0.0.44.dev20260713+nightly
codegen_flags: <defaults>
</compile_context>

<pallas_src>
import functools

import jax
import jax.numpy as jnp
from jax import lax
from jax.experimental import pallas as pl
from jax.experimental.pallas import tpu as pltpu
from jax.experimental.pallas import tpu_sc as plsc

N = 10000
E = 320000
D = 128
DL = 16
NIDS = 2000

NC = 2
NS = 16
NW = NC * NS

NPAD = 10240
SR = NPAD // NS
CH = 128
NCHUNK = 79
EPT = NCHUNK * CH
EPAD = EPT * NW

IPAD = 2048
IPT = IPAD // NW

ROWB = 1024

_mesh = plsc.VectorSubcoreMesh(
    core_axis_name="c", subcore_axis_name="s", num_cores=NC, num_subcores=NS)
_sc_params = pltpu.CompilerParams(use_tc_tiling_on_sc=False)

_f32 = jnp.float32
_i32 = jnp.int32


def _deg_body(dst3, z16, ones_h, out, dstv, onesv, degS):
    c = lax.axis_index("c")
    s = lax.axis_index("s")
    w = c * NS + s
    pltpu.sync_copy(dst3.at[w], dstv)
    pltpu.sync_copy(ones_h, onesv)
    pltpu.sync_copy(z16.at[pl.ds(s * SR, SR)], degS.at[pl.ds(s * SR, SR)])
    plsc.subcore_barrier()

    def body(j, carry):
        pltpu.sync_copy(onesv, degS.at[dstv.at[j]], add=True)
        return carry

    lax.fori_loop(0, NCHUNK, body, 0)
    plsc.subcore_barrier()
    pltpu.sync_copy(degS.at[pl.ds(s * SR, SR)], out.at[c, pl.ds(s * SR, SR)])


_deg_call = pl.kernel(
    _deg_body,
    out_type=jax.ShapeDtypeStruct((NC, NPAD, DL), _f32),
    mesh=_mesh,
    compiler_params=_sc_params,
    scratch_types=[
        pltpu.VMEM((NCHUNK, CH), _i32),
        pltpu.VMEM((CH, DL), _f32),
        pltpu.VMEM_SHARED((NPAD, DL), _f32),
    ],
)


def _acc_body(Dd, src3, dst3, g_h, z_h, out, srcv, dstv, buf, accS):
    c = lax.axis_index("c")
    s = lax.axis_index("s")
    w = c * NS + s
    pltpu.sync_copy(src3.at[w], srcv)
    pltpu.sync_copy(dst3.at[w], dstv)
    pltpu.sync_copy(z_h.at[pl.ds(s * SR, SR)], accS.at[pl.ds(s * SR, SR)])
    plsc.subcore_barrier()

    def body(j, carry):
        pltpu.sync_copy(g_h.at[srcv.at[j]], buf)
        pltpu.sync_copy(buf, accS.at[dstv.at[j]], add=True)
        return carry

    lax.fori_loop(0, NCHUNK, body, 0)
    plsc.subcore_barrier()
    pltpu.sync_copy(accS.at[pl.ds(s * SR, SR)], out.at[c, pl.ds(s * SR, SR)])


def _make_acc_call(Dd):
    return pl.kernel(
        functools.partial(_acc_body, Dd),
        out_type=jax.ShapeDtypeStruct((NC, NPAD, Dd), _f32),
        mesh=_mesh,
        compiler_params=_sc_params,
        scratch_types=[
            pltpu.VMEM((NCHUNK, CH), _i32),
            pltpu.VMEM((NCHUNK, CH), _i32),
            pltpu.VMEM((CH, Dd), _f32),
            pltpu.VMEM_SHARED((NPAD, Dd), _f32),
        ],
    )


_acc128_call = _make_acc_call(D)
_acc16_call = _make_acc_call(DL)


def _head_body(ids2, a_h, b_h, g_h, dv_h, lab_h,
               ya, yb, yg, ydv, ylab,
               idsv, bufa, bufb, bufg, bufd, bufl):
    c = lax.axis_index("c")
    s = lax.axis_index("s")
    w = c * NS + s
    pltpu.sync_copy(ids2.at[w], idsv)
    pltpu.sync_copy(a_h.at[idsv], bufa)
    pltpu.sync_copy(b_h.at[idsv], bufb)
    pltpu.sync_copy(g_h.at[idsv], bufg)
    pltpu.sync_copy(dv_h.at[idsv], bufd)
    pltpu.sync_copy(lab_h.at[idsv], bufl)
    sl = pl.ds(w * IPT, IPT)
    pltpu.sync_copy(bufa, ya.at[sl])
    pltpu.sync_copy(bufb, yb.at[sl])
    pltpu.sync_copy(bufg, yg.at[sl])
    pltpu.sync_copy(bufd, ydv.at[sl])
    pltpu.sync_copy(bufl, ylab.at[sl])


_head_call = pl.kernel(
    _head_body,
    out_type=(
        jax.ShapeDtypeStruct((IPAD, DL), _f32),
        jax.ShapeDtypeStruct((IPAD, DL), _f32),
        jax.ShapeDtypeStruct((IPAD, DL), _f32),
        jax.ShapeDtypeStruct((IPAD, DL), _f32),
        jax.ShapeDtypeStruct((IPAD, DL), _i32),
    ),
    mesh=_mesh,
    compiler_params=_sc_params,
    scratch_types=[
        pltpu.VMEM((IPT,), _i32),
        pltpu.VMEM((IPT, DL), _f32),
        pltpu.VMEM((IPT, DL), _f32),
        pltpu.VMEM((IPT, DL), _f32),
        pltpu.VMEM((IPT, DL), _f32),
        pltpu.VMEM((IPT, DL), _i32),
    ],
)


def _mm1_body(x_ref, w_ref, d0_ref, d1_ref, g1_ref, dv_ref, dv16_ref):
    deg = d0_ref[...] + d1_ref[...] + 1.0
    dv = lax.rsqrt(jnp.maximum(deg, 1.0))
    h = jnp.dot(x_ref[...], w_ref[...], preferred_element_type=_f32)
    g1_ref[...] = h * dv
    dv_ref[...] = dv
    dv16_ref[...] = jnp.broadcast_to(dv, (ROWB, DL))


def _mm1_call(x_p, W1, deg0, deg1):
    return pl.pallas_call(
        _mm1_body,
        grid=(NPAD // ROWB,),
        in_specs=[
            pl.BlockSpec((ROWB, D), lambda i: (i, 0)),
            pl.BlockSpec((D, D), lambda i: (0, 0)),
            pl.BlockSpec((ROWB, 1), lambda i: (i, 0)),
            pl.BlockSpec((ROWB, 1), lambda i: (i, 0)),
        ],
        out_specs=[
            pl.BlockSpec((ROWB, D), lambda i: (i, 0)),
            pl.BlockSpec((ROWB, 1), lambda i: (i, 0)),
            pl.BlockSpec((ROWB, DL), lambda i: (i, 0)),
        ],
        out_shape=[
            jax.ShapeDtypeStruct((NPAD, D), _f32),
            jax.ShapeDtypeStruct((NPAD, 1), _f32),
            jax.ShapeDtypeStruct((NPAD, DL), _f32),
        ],
    )(x_p, W1, deg0, deg1)


def _mm2_body(aa_ref, ab_ref, g1_ref, dv_ref, b1_ref, w2_ref, g2_ref):
    dv = dv_ref[...]
    t = dv * (aa_ref[...] + ab_ref[...] + g1_ref[...]) + b1_ref[...]
    h2 = jnp.maximum(t, 0.0)
    g2_ref[...] = jnp.dot(h2, w2_ref[...], preferred_element_type=_f32) * dv


def _mm2_call(acc1a, acc1b, g1, dinv, b1r, W2):
    return pl.pallas_call(
        _mm2_body,
        grid=(NPAD // ROWB,),
        in_specs=[
            pl.BlockSpec((ROWB, D), lambda i: (i, 0)),
            pl.BlockSpec((ROWB, D), lambda i: (i, 0)),
            pl.BlockSpec((ROWB, D), lambda i: (i, 0)),
            pl.BlockSpec((ROWB, 1), lambda i: (i, 0)),
            pl.BlockSpec((1, D), lambda i: (0, 0)),
            pl.BlockSpec((D, DL), lambda i: (0, 0)),
        ],
        out_specs=pl.BlockSpec((ROWB, DL), lambda i: (i, 0)),
        out_shape=jax.ShapeDtypeStruct((NPAD, DL), _f32),
    )(acc1a, acc1b, g1, dinv, b1r, W2)


def _loss_body(ya_ref, yb_ref, yg_ref, dv_ref, lab_ref, b2_ref, y_ref, loss_ref):
    y = dv_ref[...] * (ya_ref[...] + yb_ref[...] + yg_ref[...]) + b2_ref[...]
    m = jnp.max(y, axis=1, keepdims=True)
    lse = m + jnp.log(jnp.sum(jnp.exp(y - m), axis=1, keepdims=True))
    onehot = lax.broadcasted_iota(_i32, (IPAD, DL), 1) == lab_ref[...]
    ylab = jnp.sum(jnp.where(onehot, y, 0.0), axis=1, keepdims=True)
    nll = lse - ylab
    valid = lax.broadcasted_iota(_i32, (IPAD, 1), 0) < NIDS
    loss = jnp.sum(jnp.where(valid, nll, 0.0)) / float(NIDS)
    y_ref[...] = y
    loss_ref[...] = jnp.reshape(loss, (1, 1))


def _loss_call(ya, yb, yg, ydv, ylab, b2r):
    return pl.pallas_call(
        _loss_body,
        grid=(1,),
        in_specs=[
            pl.BlockSpec((IPAD, DL), lambda i: (0, 0)),
            pl.BlockSpec((IPAD, DL), lambda i: (0, 0)),
            pl.BlockSpec((IPAD, DL), lambda i: (0, 0)),
            pl.BlockSpec((IPAD, DL), lambda i: (0, 0)),
            pl.BlockSpec((IPAD, DL), lambda i: (0, 0)),
            pl.BlockSpec((1, DL), lambda i: (0, 0)),
        ],
        out_specs=[
            pl.BlockSpec((IPAD, DL), lambda i: (0, 0)),
            pl.BlockSpec((1, 1), lambda i: (0, 0)),
        ],
        out_shape=[
            jax.ShapeDtypeStruct((IPAD, DL), _f32),
            jax.ShapeDtypeStruct((1, 1), _f32),
        ],
    )(ya, yb, yg, ydv, ylab, b2r)


def kernel(x, edge_index, node_ids, label_inds, W1, b1, W2, b2):
    src = edge_index[0].astype(_i32)
    dst = edge_index[1].astype(_i32)
    src3 = jnp.concatenate(
        [src, jnp.zeros((EPAD - E,), _i32)]).reshape(NW, NCHUNK, CH)
    dst3 = jnp.concatenate(
        [dst, jnp.full((EPAD - E,), N, _i32)]).reshape(NW, NCHUNK, CH)
    x_p = jnp.pad(x, ((0, NPAD - N), (0, 0)))
    z_nd = jnp.zeros((NPAD, D), _f32)
    z_16 = jnp.zeros((NPAD, DL), _f32)
    ones_16 = jnp.ones((CH, DL), _f32)
    ids2 = jnp.pad(node_ids.astype(_i32), (0, IPAD - NIDS)).reshape(NW, IPT)
    lab16 = jnp.broadcast_to(
        jnp.pad(label_inds.astype(_i32), (0, NPAD - N))[:, None], (NPAD, DL))

    deg = _deg_call(dst3, z_16, ones_16)
    g1, dinv, dinv16 = _mm1_call(x_p, W1, deg[0, :, :1], deg[1, :, :1])

    acc1 = _acc128_call(src3, dst3, g1, z_nd)
    g2 = _mm2_call(acc1[0], acc1[1], g1, dinv, b1.reshape(1, D), W2)

    acc2 = _acc16_call(src3, dst3, g2, z_16)
    ya, yb, yg, ydv, ylab = _head_call(
        ids2, acc2[0], acc2[1], g2, dinv16, lab16)
    y2d, loss = _loss_call(ya, yb, yg, ydv, ylab, b2.reshape(1, DL))
    return (loss[0, 0], y2d[:NIDS])

# --- scband reference (transcript-rebuilt; emitter-appended) ---
"""Pipeline reference for scband-text-gnn-9234179687482 (READ-ONLY COPY).

The authoritative reference and input builder live on the scoring server;
editing this copy changes nothing except your own understanding.
"""

import jax, jax.numpy as jnp
import numpy as np

N = 10000
E = 320000
D_IN = 128
D_HID = 128
N_LABELS = 16
N_IDS = 2000


def _glorot(key, shape):
    fan_in, fan_out = shape[0], shape[1]
    gain = float(np.sqrt(2.0))  # calculate_gain('relu')
    a = gain * float(np.sqrt(6.0 / (fan_in + fan_out)))
    return jax.random.uniform(key, shape, jnp.float32, -a, a)


def setup_inputs(seed: int = 0) -> dict:
    key = jax.random.key(seed)
    ks = jax.random.split(key, 8)
    x = jax.random.normal(ks[0], (N, D_IN), jnp.float32)
    edge_index = jax.random.randint(ks[1], (2, E), 0, N, jnp.int32)
    node_ids = jax.random.randint(ks[2], (N_IDS,), 0, N, jnp.int32)
    label_inds = jax.random.randint(ks[3], (N,), 0, N_LABELS, jnp.int32)
    W1 = _glorot(ks[4], (D_IN, D_HID))
    b1 = jnp.zeros((D_HID,), jnp.float32)
    W2 = _glorot(ks[5], (D_HID, N_LABELS))
    b2 = jnp.zeros((N_LABELS,), jnp.float32)
    return {"x": x, "edge_index": edge_index, "node_ids": node_ids,
            "label_inds": label_inds, "W1": W1, "b1": b1, "W2": W2, "b2": b2}


def _gcn_conv(x, edge_index, W, b):
    n = x.shape[0]
    loops = jnp.arange(n, dtype=edge_index.dtype)
    src = jnp.concatenate([edge_index[0], loops])
    dst = jnp.concatenate([edge_index[1], loops])
    deg = jnp.zeros((n,), jnp.float32).at[dst].add(1.0)
    dinv = jax.lax.rsqrt(jnp.maximum(deg, 1.0))
    norm = dinv[src] * dinv[dst]
    h = x @ W
    msg = h[src] * norm[:, None]
    out = jnp.zeros((n, W.shape[1]), jnp.float32).at[dst].add(msg)
    return out + b


def reference(x, edge_index, node_ids, label_inds, W1, b1, W2, b2):
    # layer 1: GCNConv + relu
    h = _gcn_conv(x, edge_index, W1, b1)
    h = jax.nn.relu(h)
    # layer 2: GCNConv + identity
    out = _gcn_conv(h, edge_index, W2, b2)
    # softmax pred head: gather logits at node_ids, cross-entropy vs labels
    y_preds = out[node_ids]
    y_true = label_inds[node_ids]
    logp = jax.nn.log_softmax(y_preds, axis=-1)
    nll = -jnp.take_along_axis(logp, y_true[:, None].astype(jnp.int32), axis=1)[:, 0]
    loss = jnp.mean(nll)
    return (loss, y_preds)

if __name__ == "__main__":
    import jax
    _d = setup_inputs()
    print(jax.jit(kernel)(*tuple(_d.values())))

</pallas_src>

<mosaic_0001>
#map = affine_map<(d0, d1) -> (0, 0, 0)>
#map1 = affine_map<(d0, d1) -> (0, 0)>
module attributes {stable_mosaic.version = 14 : i64} {
  func.func @_deg_body(%arg0: i32, %arg1: i32, %arg2: memref<32x79x128xi32, #tpu.memory_space<hbm>>, %arg3: memref<10240x16xf32, #tpu.memory_space<hbm>>, %arg4: memref<128x16xf32, #tpu.memory_space<hbm>>, %arg5: memref<2x10240x16xf32, #tpu.memory_space<hbm>>, %arg6: memref<79x128xi32, #tpu.memory_space<vmem>>, %arg7: memref<128x16xf32, #tpu.memory_space<vmem>>, %arg8: memref<10240x16xf32, #tpu.memory_space<vmem_shared>>) attributes {dimension_semantics = [#tpu.dimension_semantics<core_parallel>, #tpu.dimension_semantics<subcore_parallel>], iteration_bounds = array<i64: 2, 16>, scalar_prefetch = 0 : i64, scratch_operands = 3 : i64, tpu.core_type = #tpu.core_type<sc_vector_subcore>, window_params = [{transform_indices = #map}, {transform_indices = #map1}, {transform_indices = #map1}, {transform_indices = #map}]} {
    %mul3A = arith.constant 16 : i32
    %mul3A_0 = arith.muli %arg0, %mul3A : i32
    %add3A = arith.addi %mul3A_0, %arg1 : i32
    "tpu.region"() ({
      %run_scoped3A = tpu.sem_alloc : memref<!tpu.dma_semaphore, #tpu.memory_space<semaphore_mem>>
      %dma_start3A = arith.constant 0 : i32
      %dma_start3A_15 = arith.constant 0 : i32
      %dma_start3A_16 = tpu.memref_slice %arg2[%add3A, %dma_start3A, %dma_start3A_15] : memref<32x79x128xi32, #tpu.memory_space<hbm>> -> memref<1x79x128xi32, #tpu.memory_space<hbm>>
      %dma_start3A_17 = tpu.memref_squeeze %dma_start3A_16 : memref<1x79x128xi32, #tpu.memory_space<hbm>> -> memref<79x128xi32, #tpu.memory_space<hbm>>
      %dma_start3A_18 = arith.constant 0 : i32
      %dma_start3A_19 = arith.constant 0 : i32
      %dma_start3A_20 = tpu.memref_slice %arg2[%add3A, %dma_start3A_18, %dma_start3A_19] : memref<32x79x128xi32, #tpu.memory_space<hbm>> -> memref<1x79x128xi32, #tpu.memory_space<hbm>>
      %dma_start3A_21 = tpu.memref_squeeze %dma_start3A_20 : memref<1x79x128xi32, #tpu.memory_space<hbm>> -> memref<79x128xi32, #tpu.memory_space<hbm>>
      tpu.enqueue_dma source(%dma_start3A_21 : memref<79x128xi32, #tpu.memory_space<hbm>>) target(%arg6 : memref<79x128xi32, #tpu.memory_space<vmem>>) target_semaphore(%run_scoped3A : memref<!tpu.dma_semaphore, #tpu.memory_space<semaphore_mem>>)
      %dma_wait3A = arith.constant 0 : i32
      %dma_wait3A_22 = arith.constant 0 : i32
      %dma_wait3A_23 = tpu.memref_slice %arg2[%add3A, %dma_wait3A, %dma_wait3A_22] : memref<32x79x128xi32, #tpu.memory_space<hbm>> -> memref<1x79x128xi32, #tpu.memory_space<hbm>>
      %dma_wait3A_24 = tpu.memref_squeeze %dma_wait3A_23 : memref<1x79x128xi32, #tpu.memory_space<hbm>> -> memref<79x128xi32, #tpu.memory_space<hbm>>
      %dma_wait3A_25 = arith.constant 0 : i32
      %dma_wait3A_26 = arith.constant 0 : i32
      %dma_wait3A_27 = tpu.memref_slice %arg2[%add3A, %dma_wait3A_25, %dma_wait3A_26] : memref<32x79x128xi32, #tpu.memory_space<hbm>> -> memref<1x79x128xi32, #tpu.memory_space<hbm>>
      %dma_wait3A_28 = tpu.memref_squeeze %dma_wait3A_27 : memref<1x79x128xi32, #tpu.memory_space<hbm>> -> memref<79x128xi32, #tpu.memory_space<hbm>>
      tpu.wait_dma2 semaphore(%run_scoped3A : memref<!tpu.dma_semaphore, #tpu.memory_space<semaphore_mem>>) src(%dma_wait3A_28 : memref<79x128xi32, #tpu.memory_space<hbm>>) dst(%arg6 : memref<79x128xi32, #tpu.memory_space<vmem>>)
      tpu.yield
    }) : () -> ()
    "tpu.region"() ({
      %run_scoped3A = tpu.sem_alloc : memref<!tpu.dma_semaphore, #tpu.memory_space<semaphore_mem>>
      tpu.enqueue_dma source(%arg4 : memref<128x16xf32, #tpu.memory_space<hbm>>) target(%arg7 : memref<128x16xf32, #tpu.memory_space<vmem>>) target_semaphore(%run_scoped3A : memref<!tpu.dma_semaphore, #tpu.memory_space<semaphore_mem>>)
      tpu.wait_dma2 semaphore(%run_scoped3A : memref<!tpu.dma_semaphore, #tpu.memory_space<semaphore_mem>>) src(%arg4 : memref<128x16xf32, #tpu.memory_space<hbm>>) dst(%arg7 : memref<128x16xf32, #tpu.memory_space<vmem>>)
      tpu.yield
    }) : () -> ()
    %mul3A_1 = arith.constant 640 : i32
    %mul3A_2 = arith.muli %arg1, %mul3A_1 : i32
    %mul3A_3 = arith.constant 640 : i32
    %mul3A_4 = arith.muli %arg1, %mul3A_3 : i32
    "tpu.region"() ({
      %run_scoped3A = tpu.sem_alloc : memref<!tpu.dma_semaphore, #tpu.memory_space<semaphore_mem>>
      %dma_start3A = arith.constant 0 : i32
      %dma_start3A_15 = tpu.memref_slice %arg8[%mul3A_4, %dma_start3A] : memref<10240x16xf32, #tpu.memory_space<vmem_shared>> -> memref<640x16xf32, #tpu.memory_space<vmem_shared>>
      %dma_start3A_16 = arith.constant 0 : i32
      %dma_start3A_17 = tpu.memref_slice %arg3[%mul3A_2, %dma_start3A_16] : memref<10240x16xf32, #tpu.memory_space<hbm>> -> memref<640x16xf32, #tpu.memory_space<hbm>>
      tpu.enqueue_dma source(%dma_start3A_17 : memref<640x16xf32, #tpu.memory_space<hbm>>) target(%dma_start3A_15 : memref<640x16xf32, #tpu.memory_space<vmem_shared>>) target_semaphore(%run_scoped3A : memref<!tpu.dma_semaphore, #tpu.memory_space<semaphore_mem>>)
      %dma_wait3A = arith.constant 0 : i32
      %dma_wait3A_18 = tpu.memref_slice %arg8[%mul3A_4, %dma_wait3A] : memref<10240x16xf32, #tpu.memory_space<vmem_shared>> -> memref<640x16xf32, #tpu.memory_space<vmem_shared>>
      %dma_wait3A_19 = arith.constant 0 : i32
      %dma_wait3A_20 = tpu.memref_slice %arg3[%mul3A_2, %dma_wait3A_19] : memref<10240x16xf32, #tpu.memory_space<hbm>> -> memref<640x16xf32, #tpu.memory_space<hbm>>
      tpu.wait_dma2 semaphore(%run_scoped3A : memref<!tpu.dma_semaphore, #tpu.memory_space<semaphore_mem>>) src(%dma_wait3A_20 : memref<640x16xf32, #tpu.memory_space<hbm>>) dst(%dma_wait3A_18 : memref<640x16xf32, #tpu.memory_space<vmem_shared>>)
      tpu.yield
    }) : () -> ()
    %barrier3A = arith.constant 0 : index
    tpu.barrier barrier_id(%barrier3A)
    %scan3A = arith.constant 0 : i32
    %scan3A_5 = arith.constant 0 : i32
    %scan3A_6 = arith.constant 79 : i32
    %scan3A_7 = arith.addi %scan3A_5, %scan3A_6 : i32
    %scan3A_8 = arith.constant 1 : i32
    scf.for %scan3A_15 = %scan3A_5 to %scan3A_7 step %scan3A_8  : i32 {
      "tpu.region"() ({
        %run_scoped3A = tpu.sem_alloc : memref<!tpu.dma_semaphore, #tpu.memory_space<semaphore_mem>>
        %dma_start3A = arith.constant 0 : i32
        %dma_start3A_16 = tpu.memref_slice %arg6[%scan3A_15, %dma_start3A] : memref<79x128xi32, #tpu.memory_space<vmem>> -> memref<1x128xi32, #tpu.memory_space<vmem>>
        %dma_start3A_17 = tpu.memref_squeeze %dma_start3A_16 : memref<1x128xi32, #tpu.memory_space<vmem>> -> memref<128xi32, #tpu.memory_space<vmem>>
        %dma_start3A_18 = arith.constant 0 : i32
        %dma_start3A_19 = arith.constant 0 : i32
        %dma_start3A_20 = tpu.memref_slice %arg8[%dma_start3A_18, %dma_start3A_19] : memref<10240x16xf32, #tpu.memory_space<vmem_shared>> -> memref<10240x16xf32, #tpu.memory_space<vmem_shared>>
        tpu.enqueue_indirect_dma source(%arg7 : memref<128x16xf32, #tpu.memory_space<vmem>>) target(%dma_start3A_20 : memref<10240x16xf32, #tpu.memory_space<vmem_shared>>) offsets(%dma_start3A_17 : memref<128xi32, #tpu.memory_space<vmem>>) semaphore(%run_scoped3A : memref<!tpu.dma_semaphore, #tpu.memory_space<semaphore_mem>>) {add = true}
        %dma_wait3A = arith.constant 0 : i32
        %dma_wait3A_21 = tpu.memref_slice %arg6[%scan3A_15, %dma_wait3A] : memref<79x128xi32, #tpu.memory_space<vmem>> -> memref<1x128xi32, #tpu.memory_space<vmem>>
        %dma_wait3A_22 = tpu.memref_squeeze %dma_wait3A_21 : memref<1x128xi32, #tpu.memory_space<vmem>> -> memref<128xi32, #tpu.memory_space<vmem>>
        %dma_wait3A_23 = arith.constant 0 : i32
        %dma_wait3A_24 = arith.constant 0 : i32
        %dma_wait3A_25 = tpu.memref_slice %arg8[%dma_wait3A_23, %dma_wait3A_24] : memref<10240x16xf32, #tpu.memory_space<vmem_shared>> -> memref<10240x16xf32, #tpu.memory_space<vmem_shared>>
        tpu.wait_indirect_dma semaphore(%run_scoped3A : memref<!tpu.dma_semaphore, #tpu.memory_space<semaphore_mem>>) src(%arg7 : memref<128x16xf32, #tpu.memory_space<vmem>>) dst(%dma_wait3A_25 : memref<10240x16xf32, #tpu.memory_space<vmem_shared>>)
        tpu.yield
      }) : () -> ()
    }
    %scan3A_9 = arith.constant 79 : i32
    %barrier3A_10 = arith.constant 0 : index
    tpu.barrier barrier_id(%barrier3A_10)
    %mul3A_11 = arith.constant 640 : i32
    %mul3A_12 = arith.muli %arg1, %mul3A_11 : i32
    %mul3A_13 = arith.constant 640 : i32
    %mul3A_14 = arith.muli %arg1, %mul3A_13 : i32
    "tpu.region"() ({
      %run_scoped3A = tpu.sem_alloc : memref<!tpu.dma_semaphore, #tpu.memory_space<semaphore_mem>>
      %dma_start3A = arith.constant 0 : i32
      %dma_start3A_15 = tpu.memref_slice %arg5[%arg0, %mul3A_14, %dma_start3A] : memref<2x10240x16xf32, #tpu.memory_space<hbm>> -> memref<1x640x16xf32, #tpu.memory_space<hbm>>
      %dma_start3A_16 = tpu.memref_squeeze %dma_start3A_15 : memref<1x640x16xf32, #tpu.memory_space<hbm>> -> memref<640x16xf32, #tpu.memory_space<hbm>>
      %dma_start3A_17 = arith.constant 0 : i32
      %dma_start3A_18 = tpu.memref_slice %arg8[%mul3A_12, %dma_start3A_17] : memref<10240x16xf32, #tpu.memory_space<vmem_shared>> -> memref<640x16xf32, #tpu.memory_space<vmem_shared>>
      tpu.enqueue_dma source(%dma_start3A_18 : memref<640x16xf32, #tpu.memory_space<vmem_shared>>) target(%dma_start3A_16 : memref<640x16xf32, #tpu.memory_space<hbm>>) target_semaphore(%run_scoped3A : memref<!tpu.dma_semaphore, #tpu.memory_space<semaphore_mem>>)
      %dma_wait3A = arith.constant 0 : i32
      %dma_wait3A_19 = tpu.memref_slice %arg5[%arg0, %mul3A_14, %dma_wait3A] : memref<2x10240x16xf32, #tpu.memory_space<hbm>> -> memref<1x640x16xf32, #tpu.memory_space<hbm>>
      %dma_wait3A_20 = tpu.memref_squeeze %dma_wait3A_19 : memref<1x640x16xf32, #tpu.memory_space<hbm>> -> memref<640x16xf32, #tpu.memory_space<hbm>>
      %dma_wait3A_21 = arith.constant 0 : i32
      %dma_wait3A_22 = tpu.memref_slice %arg8[%mul3A_12, %dma_wait3A_21] : memref<10240x16xf32, #tpu.memory_space<vmem_shared>> -> memref<640x16xf32, #tpu.memory_space<vmem_shared>>
      tpu.wait_dma2 semaphore(%run_scoped3A : memref<!tpu.dma_semaphore, #tpu.memory_space<semaphore_mem>>) src(%dma_wait3A_22 : memref<640x16xf32, #tpu.memory_space<vmem_shared>>) dst(%dma_wait3A_20 : memref<640x16xf32, #tpu.memory_space<hbm>>)
      tpu.yield
    }) : () -> ()
    return
  }
}

#map = affine_map<(d0, d1) -> (0, 0, 0)>
#map1 = affine_map<(d0, d1) -> (0, 0)>
module attributes {stable_mosaic.version = 14 : i64} {
  func.func @_acc_body(%arg0: i32, %arg1: i32, %arg2: memref<32x79x128xi32, #tpu.memory_space<hbm>>, %arg3: memref<32x79x128xi32, #tpu.memory_space<hbm>>, %arg4: memref<10240x128xf32, #tpu.memory_space<hbm>>, %arg5: memref<10240x128xf32, #tpu.memory_space<hbm>>, %arg6: memref<2x10240x128xf32, #tpu.memory_space<hbm>>, %arg7: memref<79x128xi32, #tpu.memory_space<vmem>>, %arg8: memref<79x128xi32, #tpu.memory_space<vmem>>, %arg9: memref<128x128xf32, #tpu.memory_space<vmem>>, %arg10: memref<10240x128xf32, #tpu.memory_space<vmem_shared>>) attributes {dimension_semantics = [#tpu.dimension_semantics<core_parallel>, #tpu.dimension_semantics<subcore_parallel>], iteration_bounds = array<i64: 2, 16>, scalar_prefetch = 0 : i64, scratch_operands = 4 : i64, tpu.core_type = #tpu.core_type<sc_vector_subcore>, window_params = [{transform_indices = #map}, {transform_indices = #map}, {transform_indices = #map1}, {transform_indices = #map1}, {transform_indices = #map}]} {
    %mul3A = arith.constant 16 : i32
    %mul3A_0 = arith.muli %arg0, %mul3A : i32
    %add3A = arith.addi %mul3A_0, %arg1 : i32
    "tpu.region"() ({
      %run_scoped3A = tpu.sem_alloc : memref<!tpu.dma_semaphore, #tpu.memory_space<semaphore_mem>>
      %dma_start3A = arith.constant 0 : i32
      %dma_start3A_15 = arith.constant 0 : i32
      %dma_start3A_16 = tpu.memref_slice %arg2[%add3A, %dma_start3A, %dma_start3A_15] : memref<32x79x128xi32, #tpu.memory_space<hbm>> -> memref<1x79x128xi32, #tpu.memory_space<hbm>>
      %dma_start3A_17 = tpu.memref_squeeze %dma_start3A_16 : memref<1x79x128xi32, #tpu.memory_space<hbm>> -> memref<79x128xi32, #tpu.memory_space<hbm>>
      %dma_start3A_18 = arith.constant 0 : i32
      %dma_start3A_19 = arith.constant 0 : i32
      %dma_start3A_20 = tpu.memref_slice %arg2[%add3A, %dma_start3A_18, %dma_start3A_19] : memref<32x79x128xi32, #tpu.memory_space<hbm>> -> memref<1x79x128xi32, #tpu.memory_space<hbm>>
      %dma_start3A_21 = tpu.memref_squeeze %dma_start3A_20 : memref<1x79x128xi32, #tpu.memory_space<hbm>> -> memref<79x128xi32, #tpu.memory_space<hbm>>
      tpu.enqueue_dma source(%dma_start3A_21 : memref<79x128xi32, #tpu.memory_space<hbm>>) target(%arg7 : memref<79x128xi32, #tpu.memory_space<vmem>>) target_semaphore(%run_scoped3A : memref<!tpu.dma_semaphore, #tpu.memory_space<semaphore_mem>>)
      %dma_wait3A = arith.constant 0 : i32
      %dma_wait3A_22 = arith.constant 0 : i32
      %dma_wait3A_23 = tpu.memref_slice %arg2[%add3A, %dma_wait3A, %dma_wait3A_22] : memref<32x79x128xi32, #tpu.memory_space<hbm>> -> memref<1x79x128xi32, #tpu.memory_space<hbm>>
      %dma_wait3A_24 = tpu.memref_squeeze %dma_wait3A_23 : memref<1x79x128xi32, #tpu.memory_space<hbm>> -> memref<79x128xi32, #tpu.memory_space<hbm>>
      %dma_wait3A_25 = arith.constant 0 : i32
      %dma_wait3A_26 = arith.constant 0 : i32
      %dma_wait3A_27 = tpu.memref_slice %arg2[%add3A, %dma_wait3A_25, %dma_wait3A_26] : memref<32x79x128xi32, #tpu.memory_space<hbm>> -> memref<1x79x128xi32, #tpu.memory_space<hbm>>
      %dma_wait3A_28 = tpu.memref_squeeze %dma_wait3A_27 : memref<1x79x128xi32, #tpu.memory_space<hbm>> -> memref<79x128xi32, #tpu.memory_space<hbm>>
      tpu.wait_dma2 semaphore(%run_scoped3A : memref<!tpu.dma_semaphore, #tpu.memory_space<semaphore_mem>>) src(%dma_wait3A_28 : memref<79x128xi32, #tpu.memory_space<hbm>>) dst(%arg7 : memref<79x128xi32, #tpu.memory_space<vmem>>)
      tpu.yield
    }) : () -> ()
    "tpu.region"() ({
      %run_scoped3A = tpu.sem_alloc : memref<!tpu.dma_semaphore, #tpu.memory_space<semaphore_mem>>
      %dma_start3A = arith.constant 0 : i32
      %dma_start3A_15 = arith.constant 0 : i32
      %dma_start3A_16 = tpu.memref_slice %arg3[%add3A, %dma_start3A, %dma_start3A_15] : memref<32x79x128xi32, #tpu.memory_space<hbm>> -> memref<1x79x128xi32, #tpu.memory_space<hbm>>
      %dma_start3A_17 = tpu.memref_squeeze %dma_start3A_16 : memref<1x79x128xi32, #tpu.memory_space<hbm>> -> memref<79x128xi32, #tpu.memory_space<hbm>>
      %dma_start3A_18 = arith.constant 0 : i32
      %dma_start3A_19 = arith.constant 0 : i32
      %dma_start3A_20 = tpu.memref_slice %arg3[%add3A, %dma_start3A_18, %dma_start3A_19] : memref<32x79x128xi32, #tpu.memory_space<hbm>> -> memref<1x79x128xi32, #tpu.memory_space<hbm>>
      %dma_start3A_21 = tpu.memref_squeeze %dma_start3A_20 : memref<1x79x128xi32, #tpu.memory_space<hbm>> -> memref<79x128xi32, #tpu.memory_space<hbm>>
      tpu.enqueue_dma source(%dma_start3A_21 : memref<79x128xi32, #tpu.memory_space<hbm>>) target(%arg8 : memref<79x128xi32, #tpu.memory_space<vmem>>) target_semaphore(%run_scoped3A : memref<!tpu.dma_semaphore, #tpu.memory_space<semaphore_mem>>)
      %dma_wait3A = arith.constant 0 : i32
      %dma_wait3A_22 = arith.constant 0 : i32
      %dma_wait3A_23 = tpu.memref_slice %arg3[%add3A, %dma_wait3A, %dma_wait3A_22] : memref<32x79x128xi32, #tpu.memory_space<hbm>> -> memref<1x79x128xi32, #tpu.memory_space<hbm>>
      %dma_wait3A_24 = tpu.memref_squeeze %dma_wait3A_23 : memref<1x79x128xi32, #tpu.memory_space<hbm>> -> memref<79x128xi32, #tpu.memory_space<hbm>>
      %dma_wait3A_25 = arith.constant 0 : i32
      %dma_wait3A_26 = arith.constant 0 : i32
      %dma_wait3A_27 = tpu.memref_slice %arg3[%add3A, %dma_wait3A_25, %dma_wait3A_26] : memref<32x79x128xi32, #tpu.memory_space<hbm>> -> memref<1x79x128xi32, #tpu.memory_space<hbm>>
      %dma_wait3A_28 = tpu.memref_squeeze %dma_wait3A_27 : memref<1x79x128xi32, #tpu.memory_space<hbm>> -> memref<79x128xi32, #tpu.memory_space<hbm>>
      tpu.wait_dma2 semaphore(%run_scoped3A : memref<!tpu.dma_semaphore, #tpu.memory_space<semaphore_mem>>) src(%dma_wait3A_28 : memref<79x128xi32, #tpu.memory_space<hbm>>) dst(%arg8 : memref<79x128xi32, #tpu.memory_space<vmem>>)
      tpu.yield
    }) : () -> ()
    %mul3A_1 = arith.constant 640 : i32
    %mul3A_2 = arith.muli %arg1, %mul3A_1 : i32
    %mul3A_3 = arith.constant 640 : i32
    %mul3A_4 = arith.muli %arg1, %mul3A_3 : i32
    "tpu.region"() ({
      %run_scoped3A = tpu.sem_alloc : memref<!tpu.dma_semaphore, #tpu.memory_space<semaphore_mem>>
      %dma_start3A = arith.constant 0 : i32
      %dma_start3A_15 = tpu.memref_slice %arg10[%mul3A_4, %dma_start3A] : memref<10240x128xf32, #tpu.memory_space<vmem_shared>> -> memref<640x128xf32, #tpu.memory_space<vmem_shared>>
      %dma_start3A_16 = arith.constant 0 : i32
      %dma_start3A_17 = tpu.memref_slice %arg5[%mul3A_2, %dma_start3A_16] : memref<10240x128xf32, #tpu.memory_space<hbm>> -> memref<640x128xf32, #tpu.memory_space<hbm>>
      tpu.enqueue_dma source(%dma_start3A_17 : memref<640x128xf32, #tpu.memory_space<hbm>>) target(%dma_start3A_15 : memref<640x128xf32, #tpu.memory_space<vmem_shared>>) target_semaphore(%run_scoped3A : memref<!tpu.dma_semaphore, #tpu.memory_space<semaphore_mem>>)
      %dma_wait3A = arith.constant 0 : i32
      %dma_wait3A_18 = tpu.memref_slice %arg10[%mul3A_4, %dma_wait3A] : memref<10240x128xf32, #tpu.memory_space<vmem_shared>> -> memref<640x128xf32, #tpu.memory_space<vmem_shared>>
      %dma_wait3A_19 = arith.constant 0 : i32
      %dma_wait3A_20 = tpu.memref_slice %arg5[%mul3A_2, %dma_wait3A_19] : memref<10240x128xf32, #tpu.memory_space<hbm>> -> memref<640x128xf32, #tpu.memory_space<hbm>>
      tpu.wait_dma2 semaphore(%run_scoped3A : memref<!tpu.dma_semaphore, #tpu.memory_space<semaphore_mem>>) src(%dma_wait3A_20 : memref<640x128xf32, #tpu.memory_space<hbm>>) dst(%dma_wait3A_18 : memref<640x128xf32, #tpu.memory_space<vmem_shared>>)
      tpu.yield
    }) : () -> ()
    %barrier3A = arith.constant 0 : index
    tpu.barrier barrier_id(%barrier3A)
    %scan3A = arith.constant 0 : i32
    %scan3A_5 = arith.constant 0 : i32
    %scan3A_6 = arith.constant 79 : i32
    %scan3A_7 = arith.addi %scan3A_5, %scan3A_6 : i32
    %scan3A_8 = arith.constant 1 : i32
    scf.for %scan3A_15 = %scan3A_5 to %scan3A_7 step %scan3A_8  : i32 {
      "tpu.region"() ({
        %run_scoped3A = tpu.sem_alloc : memref<!tpu.dma_semaphore, #tpu.memory_space<semaphore_mem>>
        %dma_start3A = arith.constant 0 : i32
        %dma_start3A_16 = tpu.memref_slice %arg7[%scan3A_15, %dma_start3A] : memref<79x128xi32, #tpu.memory_space<vmem>> -> memref<1x128xi32, #tpu.memory_space<vmem>>
        %dma_start3A_17 = tpu.memref_squeeze %dma_start3A_16 : memref<1x128xi32, #tpu.memory_space<vmem>> -> memref<128xi32, #tpu.memory_space<vmem>>
        %dma_start3A_18 = arith.constant 0 : i32
        %dma_start3A_19 = arith.constant 0 : i32
        %dma_start3A_20 = tpu.memref_slice %arg4[%dma_start3A_18, %dma_start3A_19] : memref<10240x128xf32, #tpu.memory_space<hbm>> -> memref<10240x128xf32, #tpu.memory_space<hbm>>
        tpu.enqueue_indirect_dma source(%dma_start3A_20 : memref<10240x128xf32, #tpu.memory_space<hbm>>) target(%arg9 : memref<128x128xf32, #tpu.memory_space<vmem>>) offsets(%dma_start3A_17 : memref<128xi32, #tpu.memory_space<vmem>>) semaphore(%run_scoped3A : memref<!tpu.dma_semaphore, #tpu.memory_space<semaphore_mem>>)
        %dma_wait3A = arith.constant 0 : i32
        %dma_wait3A_21 = tpu.memref_slice %arg7[%scan3A_15, %dma_wait3A] : memref<79x128xi32, #tpu.memory_space<vmem>> -> memref<1x128xi32, #tpu.memory_space<vmem>>
        %dma_wait3A_22 = tpu.memref_squeeze %dma_wait3A_21 : memref<1x128xi32, #tpu.memory_space<vmem>> -> memref<128xi32, #tpu.memory_space<vmem>>
        %dma_wait3A_23 = arith.constant 0 : i32
        %dma_wait3A_24 = arith.constant 0 : i32
        %dma_wait3A_25 = tpu.memref_slice %arg4[%dma_wait3A_23, %dma_wait3A_24] : memref<10240x128xf32, #tpu.memory_space<hbm>> -> memref<10240x128xf32, #tpu.memory_space<hbm>>
        tpu.wait_indirect_dma semaphore(%run_scoped3A : memref<!tpu.dma_semaphore, #tpu.memory_space<semaphore_mem>>) src(%dma_wait3A_25 : memref<10240x128xf32, #tpu.memory_space<hbm>>) dst(%arg9 : memref<128x128xf32, #tpu.memory_space<vmem>>)
        tpu.yield
      }) : () -> ()
      "tpu.region"() ({
        %run_scoped3A = tpu.sem_alloc : memref<!tpu.dma_semaphore, #tpu.memory_space<semaphore_mem>>
        %dma_start3A = arith.constant 0 : i32
        %dma_start3A_16 = tpu.memref_slice %arg8[%scan3A_15, %dma_start3A] : memref<79x128xi32, #tpu.memory_space<vmem>> -> memref<1x128xi32, #tpu.memory_space<vmem>>
        %dma_start3A_17 = tpu.memref_squeeze %dma_start3A_16 : memref<1x128xi32, #tpu.memory_space<vmem>> -> memref<128xi32, #tpu.memory_space<vmem>>
        %dma_start3A_18 = arith.constant 0 : i32
        %dma_start3A_19 = arith.constant 0 : i32
        %dma_start3A_20 = tpu.memref_slice %arg10[%dma_start3A_18, %dma_start3A_19] : memref<10240x128xf32, #tpu.memory_space<vmem_shared>> -> memref<10240x128xf32, #tpu.memory_space<vmem_shared>>
        tpu.enqueue_indirect_dma source(%arg9 : memref<128x128xf32, #tpu.memory_space<vmem>>) target(%dma_start3A_20 : memref<10240x128xf32, #tpu.memory_space<vmem_shared>>) offsets(%dma_start3A_17 : memref<128xi32, #tpu.memory_space<vmem>>) semaphore(%run_scoped3A : memref<!tpu.dma_semaphore, #tpu.memory_space<semaphore_mem>>) {add = true}
        %dma_wait3A = arith.constant 0 : i32
        %dma_wait3A_21 = tpu.memref_slice %arg8[%scan3A_15, %dma_wait3A] : memref<79x128xi32, #tpu.memory_space<vmem>> -> memref<1x128xi32, #tpu.memory_space<vmem>>
        %dma_wait3A_22 = tpu.memref_squeeze %dma_wait3A_21 : memref<1x128xi32, #tpu.memory_space<vmem>> -> memref<128xi32, #tpu.memory_space<vmem>>
        %dma_wait3A_23 = arith.constant 0 : i32
        %dma_wait3A_24 = arith.constant 0 : i32
        %dma_wait3A_25 = tpu.memref_slice %arg10[%dma_wait3A_23, %dma_wait3A_24] : memref<10240x128xf32, #tpu.memory_space<vmem_shared>> -> memref<10240x128xf32, #tpu.memory_space<vmem_shared>>
        tpu.wait_indirect_dma semaphore(%run_scoped3A : memref<!tpu.dma_semaphore, #tpu.memory_space<semaphore_mem>>) src(%arg9 : memref<128x128xf32, #tpu.memory_space<vmem>>) dst(%dma_wait3A_25 : memref<10240x128xf32, #tpu.memory_space<vmem_shared>>)
        tpu.yield
      }) : () -> ()
    }
    %scan3A_9 = arith.constant 79 : i32
    %barrier3A_10 = arith.constant 0 : index
    tpu.barrier barrier_id(%barrier3A_10)
    %mul3A_11 = arith.constant 640 : i32
    %mul3A_12 = arith.muli %arg1, %mul3A_11 : i32
    %mul3A_13 = arith.constant 640 : i32
    %mul3A_14 = arith.muli %arg1, %mul3A_13 : i32
    "tpu.region"() ({
      %run_scoped3A = tpu.sem_alloc : memref<!tpu.dma_semaphore, #tpu.memory_space<semaphore_mem>>
      %dma_start3A = arith.constant 0 : i32
      %dma_start3A_15 = tpu.memref_slice %arg6[%arg0, %mul3A_14, %dma_start3A] : memref<2x10240x128xf32, #tpu.memory_space<hbm>> -> memref<1x640x128xf32, #tpu.memory_space<hbm>>
      %dma_start3A_16 = tpu.memref_squeeze %dma_start3A_15 : memref<1x640x128xf32, #tpu.memory_space<hbm>> -> memref<640x128xf32, #tpu.memory_space<hbm>>
      %dma_start3A_17 = arith.constant 0 : i32
      %dma_start3A_18 = tpu.memref_slice %arg10[%mul3A_12, %dma_start3A_17] : memref<10240x128xf32, #tpu.memory_space<vmem_shared>> -> memref<640x128xf32, #tpu.memory_space<vmem_shared>>
      tpu.enqueue_dma source(%dma_start3A_18 : memref<640x128xf32, #tpu.memory_space<vmem_shared>>) target(%dma_start3A_16 : memref<640x128xf32, #tpu.memory_space<hbm>>) target_semaphore(%run_scoped3A : memref<!tpu.dma_semaphore, #tpu.memory_space<semaphore_mem>>)
      %dma_wait3A = arith.constant 0 : i32
      %dma_wait3A_19 = tpu.memref_slice %arg6[%arg0, %mul3A_14, %dma_wait3A] : memref<2x10240x128xf32, #tpu.memory_space<hbm>> -> memref<1x640x128xf32, #tpu.memory_space<hbm>>
      %dma_wait3A_20 = tpu.memref_squeeze %dma_wait3A_19 : memref<1x640x128xf32, #tpu.memory_space<hbm>> -> memref<640x128xf32, #tpu.memory_space<hbm>>
      %dma_wait3A_21 = arith.constant 0 : i32
      %dma_wait3A_22 = tpu.memref_slice %arg10[%mul3A_12, %dma_wait3A_21] : memref<10240x128xf32, #tpu.memory_space<vmem_shared>> -> memref<640x128xf32, #tpu.memory_space<vmem_shared>>
      tpu.wait_dma2 semaphore(%run_scoped3A : memref<!tpu.dma_semaphore, #tpu.memory_space<semaphore_mem>>) src(%dma_wait3A_22 : memref<640x128xf32, #tpu.memory_space<vmem_shared>>) dst(%dma_wait3A_20 : memref<640x128xf32, #tpu.memory_space<hbm>>)
      tpu.yield
    }) : () -> ()
    return
  }
}

#map = affine_map<(d0, d1) -> (0, 0, 0)>
#map1 = affine_map<(d0, d1) -> (0, 0)>
module attributes {stable_mosaic.version = 14 : i64} {
  func.func @_acc_body(%arg0: i32, %arg1: i32, %arg2: memref<32x79x128xi32, #tpu.memory_space<hbm>>, %arg3: memref<32x79x128xi32, #tpu.memory_space<hbm>>, %arg4: memref<10240x16xf32, #tpu.memory_space<hbm>>, %arg5: memref<10240x16xf32, #tpu.memory_space<hbm>>, %arg6: memref<2x10240x16xf32, #tpu.memory_space<hbm>>, %arg7: memref<79x128xi32, #tpu.memory_space<vmem>>, %arg8: memref<79x128xi32, #tpu.memory_space<vmem>>, %arg9: memref<128x16xf32, #tpu.memory_space<vmem>>, %arg10: memref<10240x16xf32, #tpu.memory_space<vmem_shared>>) attributes {dimension_semantics = [#tpu.dimension_semantics<core_parallel>, #tpu.dimension_semantics<subcore_parallel>], iteration_bounds = array<i64: 2, 16>, scalar_prefetch = 0 : i64, scratch_operands = 4 : i64, tpu.core_type = #tpu.core_type<sc_vector_subcore>, window_params = [{transform_indices = #map}, {transform_indices = #map}, {transform_indices = #map1}, {transform_indices = #map1}, {transform_indices = #map}]} {
    %mul3A = arith.constant 16 : i32
    %mul3A_0 = arith.muli %arg0, %mul3A : i32
    %add3A = arith.addi %mul3A_0, %arg1 : i32
    "tpu.region"() ({
      %run_scoped3A = tpu.sem_alloc : memref<!tpu.dma_semaphore, #tpu.memory_space<semaphore_mem>>
      %dma_start3A = arith.constant 0 : i32
      %dma_start3A_15 = arith.constant 0 : i32
      %dma_start3A_16 = tpu.memref_slice %arg2[%add3A, %dma_start3A, %dma_start3A_15] : memref<32x79x128xi32, #tpu.memory_space<hbm>> -> memref<1x79x128xi32, #tpu.memory_space<hbm>>
      %dma_start3A_17 = tpu.memref_squeeze %dma_start3A_16 : memref<1x79x128xi32, #tpu.memory_space<hbm>> -> memref<79x128xi32, #tpu.memory_space<hbm>>
      %dma_start3A_18 = arith.constant 0 : i32
      %dma_start3A_19 = arith.constant 0 : i32
      %dma_start3A_20 = tpu.memref_slice %arg2[%add3A, %dma_start3A_18, %dma_start3A_19] : memref<32x79x128xi32, #tpu.memory_space<hbm>> -> memref<1x79x128xi32, #tpu.memory_space<hbm>>
      %dma_start3A_21 = tpu.memref_squeeze %dma_start3A_20 : memref<1x79x128xi32, #tpu.memory_space<hbm>> -> memref<79x128xi32, #tpu.memory_space<hbm>>
      tpu.enqueue_dma source(%dma_start3A_21 : memref<79x128xi32, #tpu.memory_space<hbm>>) target(%arg7 : memref<79x128xi32, #tpu.memory_space<vmem>>) target_semaphore(%run_scoped3A : memref<!tpu.dma_semaphore, #tpu.memory_space<semaphore_mem>>)
      %dma_wait3A = arith.constant 0 : i32
      %dma_wait3A_22 = arith.constant 0 : i32
      %dma_wait3A_23 = tpu.memref_slice %arg2[%add3A, %dma_wait3A, %dma_wait3A_22] : memref<32x79x128xi32, #tpu.memory_space<hbm>> -> memref<1x79x128xi32, #tpu.memory_space<hbm>>
      %dma_wait3A_24 = tpu.memref_squeeze %dma_wait3A_23 : memref<1x79x128xi32, #tpu.memory_space<hbm>> -> memref<79x128xi32, #tpu.memory_space<hbm>>
      %dma_wait3A_25 = arith.constant 0 : i32
      %dma_wait3A_26 = arith.constant 0 : i32
      %dma_wait3A_27 = tpu.memref_slice %arg2[%add3A, %dma_wait3A_25, %dma_wait3A_26] : memref<32x79x128xi32, #tpu.memory_space<hbm>> -> memref<1x79x128xi32, #tpu.memory_space<hbm>>
      %dma_wait3A_28 = tpu.memref_squeeze %dma_wait3A_27 : memref<1x79x128xi32, #tpu.memory_space<hbm>> -> memref<79x128xi32, #tpu.memory_space<hbm>>
      tpu.wait_dma2 semaphore(%run_scoped3A : memref<!tpu.dma_semaphore, #tpu.memory_space<semaphore_mem>>) src(%dma_wait3A_28 : memref<79x128xi32, #tpu.memory_space<hbm>>) dst(%arg7 : memref<79x128xi32, #tpu.memory_space<vmem>>)
      tpu.yield
    }) : () -> ()
    "tpu.region"() ({
      %run_scoped3A = tpu.sem_alloc : memref<!tpu.dma_semaphore, #tpu.memory_space<semaphore_mem>>
      %dma_start3A = arith.constant 0 : i32
      %dma_start3A_15 = arith.constant 0 : i32
      %dma_start3A_16 = tpu.memref_slice %arg3[%add3A, %dma_start3A, %dma_start3A_15] : memref<32x79x128xi32, #tpu.memory_space<hbm>> -> memref<1x79x128xi32, #tpu.memory_space<hbm>>
      %dma_start3A_17 = tpu.memref_squeeze %dma_start3A_16 : memref<1x79x128xi32, #tpu.memory_space<hbm>> -> memref<79x128xi32, #tpu.memory_space<hbm>>
      %dma_start3A_18 = arith.constant 0 : i32
      %dma_start3A_19 = arith.constant 0 : i32
      %dma_start3A_20 = tpu.memref_slice %arg3[%add3A, %dma_start3A_18, %dma_start3A_19] : memref<32x79x128xi32, #tpu.memory_space<hbm>> -> memref<1x79x128xi32, #tpu.memory_space<hbm>>
      %dma_start3A_21 = tpu.memref_squeeze %dma_start3A_20 : memref<1x79x128xi32, #tpu.memory_space<hbm>> -> memref<79x128xi32, #tpu.memory_space<hbm>>
      tpu.enqueue_dma source(%dma_start3A_21 : memref<79x128xi32, #tpu.memory_space<hbm>>) target(%arg8 : memref<79x128xi32, #tpu.memory_space<vmem>>) target_semaphore(%run_scoped3A : memref<!tpu.dma_semaphore, #tpu.memory_space<semaphore_mem>>)
      %dma_wait3A = arith.constant 0 : i32
      %dma_wait3A_22 = arith.constant 0 : i32
      %dma_wait3A_23 = tpu.memref_slice %arg3[%add3A, %dma_wait3A, %dma_wait3A_22] : memref<32x79x128xi32, #tpu.memory_space<hbm>> -> memref<1x79x128xi32, #tpu.memory_space<hbm>>
      %dma_wait3A_24 = tpu.memref_squeeze %dma_wait3A_23 : memref<1x79x128xi32, #tpu.memory_space<hbm>> -> memref<79x128xi32, #tpu.memory_space<hbm>>
      %dma_wait3A_25 = arith.constant 0 : i32
      %dma_wait3A_26 = arith.constant 0 : i32
      %dma_wait3A_27 = tpu.memref_slice %arg3[%add3A, %dma_wait3A_25, %dma_wait3A_26] : memref<32x79x128xi32, #tpu.memory_space<hbm>> -> memref<1x79x128xi32, #tpu.memory_space<hbm>>
      %dma_wait3A_28 = tpu.memref_squeeze %dma_wait3A_27 : memref<1x79x128xi32, #tpu.memory_space<hbm>> -> memref<79x128xi32, #tpu.memory_space<hbm>>
      tpu.wait_dma2 semaphore(%run_scoped3A : memref<!tpu.dma_semaphore, #tpu.memory_space<semaphore_mem>>) src(%dma_wait3A_28 : memref<79x128xi32, #tpu.memory_space<hbm>>) dst(%arg8 : memref<79x128xi32, #tpu.memory_space<vmem>>)
      tpu.yield
    }) : () -> ()
    %mul3A_1 = arith.constant 640 : i32
    %mul3A_2 = arith.muli %arg1, %mul3A_1 : i32
    %mul3A_3 = arith.constant 640 : i32
    %mul3A_4 = arith.muli %arg1, %mul3A_3 : i32
    "tpu.region"() ({
      %run_scoped3A = tpu.sem_alloc : memref<!tpu.dma_semaphore, #tpu.memory_space<semaphore_mem>>
      %dma_start3A = arith.constant 0 : i32
      %dma_start3A_15 = tpu.memref_slice %arg10[%mul3A_4, %dma_start3A] : memref<10240x16xf32, #tpu.memory_space<vmem_shared>> -> memref<640x16xf32, #tpu.memory_space<vmem_shared>>
      %dma_start3A_16 = arith.constant 0 : i32
      %dma_start3A_17 = tpu.memref_slice %arg5[%mul3A_2, %dma_start3A_16] : memref<10240x16xf32, #tpu.memory_space<hbm>> -> memref<640x16xf32, #tpu.memory_space<hbm>>
      tpu.enqueue_dma source(%dma_start3A_17 : memref<640x16xf32, #tpu.memory_space<hbm>>) target(%dma_start3A_15 : memref<640x16xf32, #tpu.memory_space<vmem_shared>>) target_semaphore(%run_scoped3A : memref<!tpu.dma_semaphore, #tpu.memory_space<semaphore_mem>>)
      %dma_wait3A = arith.constant 0 : i32
      %dma_wait3A_18 = tpu.memref_slice %arg10[%mul3A_4, %dma_wait3A] : memref<10240x16xf32, #tpu.memory_space<vmem_shared>> -> memref<640x16xf32, #tpu.memory_space<vmem_shared>>
      %dma_wait3A_19 = arith.constant 0 : i32
      %dma_wait3A_20 = tpu.memref_slice %arg5[%mul3A_2, %dma_wait3A_19] : memref<10240x16xf32, #tpu.memory_space<hbm>> -> memref<640x16xf32, #tpu.memory_space<hbm>>
      tpu.wait_dma2 semaphore(%run_scoped3A : memref<!tpu.dma_semaphore, #tpu.memory_space<semaphore_mem>>) src(%dma_wait3A_20 : memref<640x16xf32, #tpu.memory_space<hbm>>) dst(%dma_wait3A_18 : memref<640x16xf32, #tpu.memory_space<vmem_shared>>)
      tpu.yield
    }) : () -> ()
    %barrier3A = arith.constant 0 : index
    tpu.barrier barrier_id(%barrier3A)
    %scan3A = arith.constant 0 : i32
    %scan3A_5 = arith.constant 0 : i32
    %scan3A_6 = arith.constant 79 : i32
    %scan3A_7 = arith.addi %scan3A_5, %scan3A_6 : i32
    %scan3A_8 = arith.constant 1 : i32
    scf.for %scan3A_15 = %scan3A_5 to %scan3A_7 step %scan3A_8  : i32 {
      "tpu.region"() ({
        %run_scoped3A = tpu.sem_alloc : memref<!tpu.dma_semaphore, #tpu.memory_space<semaphore_mem>>
        %dma_start3A = arith.constant 0 : i32
        %dma_start3A_16 = tpu.memref_slice %arg7[%scan3A_15, %dma_start3A] : memref<79x128xi32, #tpu.memory_space<vmem>> -> memref<1x128xi32, #tpu.memory_space<vmem>>
        %dma_start3A_17 = tpu.memref_squeeze %dma_start3A_16 : memref<1x128xi32, #tpu.memory_space<vmem>> -> memref<128xi32, #tpu.memory_space<vmem>>
        %dma_start3A_18 = arith.constant 0 : i32
        %dma_start3A_19 = arith.constant 0 : i32
        %dma_start3A_20 = tpu.memref_slice %arg4[%dma_start3A_18, %dma_start3A_19] : memref<10240x16xf32, #tpu.memory_space<hbm>> -> memref<10240x16xf32, #tpu.memory_space<hbm>>
        tpu.enqueue_indirect_dma source(%dma_start3A_20 : memref<10240x16xf32, #tpu.memory_space<hbm>>) target(%arg9 : memref<128x16xf32, #tpu.memory_space<vmem>>) offsets(%dma_start3A_17 : memref<128xi32, #tpu.memory_space<vmem>>) semaphore(%run_scoped3A : memref<!tpu.dma_semaphore, #tpu.memory_space<semaphore_mem>>)
        %dma_wait3A = arith.constant 0 : i32
        %dma_wait3A_21 = tpu.memref_slice %arg7[%scan3A_15, %dma_wait3A] : memref<79x128xi32, #tpu.memory_space<vmem>> -> memref<1x128xi32, #tpu.memory_space<vmem>>
        %dma_wait3A_22 = tpu.memref_squeeze %dma_wait3A_21 : memref<1x128xi32, #tpu.memory_space<vmem>> -> memref<128xi32, #tpu.memory_space<vmem>>
        %dma_wait3A_23 = arith.constant 0 : i32
        %dma_wait3A_24 = arith.constant 0 : i32
        %dma_wait3A_25 = tpu.memref_slice %arg4[%dma_wait3A_23, %dma_wait3A_24] : memref<10240x16xf32, #tpu.memory_space<hbm>> -> memref<10240x16xf32, #tpu.memory_space<hbm>>
        tpu.wait_indirect_dma semaphore(%run_scoped3A : memref<!tpu.dma_semaphore, #tpu.memory_space<semaphore_mem>>) src(%dma_wait3A_25 : memref<10240x16xf32, #tpu.memory_space<hbm>>) dst(%arg9 : memref<128x16xf32, #tpu.memory_space<vmem>>)
        tpu.yield
      }) : () -> ()
      "tpu.region"() ({
        %run_scoped3A = tpu.sem_alloc : memref<!tpu.dma_semaphore, #tpu.memory_space<semaphore_mem>>
        %dma_start3A = arith.constant 0 : i32
        %dma_start3A_16 = tpu.memref_slice %arg8[%scan3A_15, %dma_start3A] : memref<79x128xi32, #tpu.memory_space<vmem>> -> memref<1x128xi32, #tpu.memory_space<vmem>>
        %dma_start3A_17 = tpu.memref_squeeze %dma_start3A_16 : memref<1x128xi32, #tpu.memory_space<vmem>> -> memref<128xi32, #tpu.memory_space<vmem>>
        %dma_start3A_18 = arith.constant 0 : i32
        %dma_start3A_19 = arith.constant 0 : i32
        %dma_start3A_20 = tpu.memref_slice %arg10[%dma_start3A_18, %dma_start3A_19] : memref<10240x16xf32, #tpu.memory_space<vmem_shared>> -> memref<10240x16xf32, #tpu.memory_space<vmem_shared>>
        tpu.enqueue_indirect_dma source(%arg9 : memref<128x16xf32, #tpu.memory_space<vmem>>) target(%dma_start3A_20 : memref<10240x16xf32, #tpu.memory_space<vmem_shared>>) offsets(%dma_start3A_17 : memref<128xi32, #tpu.memory_space<vmem>>) semaphore(%run_scoped3A : memref<!tpu.dma_semaphore, #tpu.memory_space<semaphore_mem>>) {add = true}
        %dma_wait3A = arith.constant 0 : i32
        %dma_wait3A_21 = tpu.memref_slice %arg8[%scan3A_15, %dma_wait3A] : memref<79x128xi32, #tpu.memory_space<vmem>> -> memref<1x128xi32, #tpu.memory_space<vmem>>
        %dma_wait3A_22 = tpu.memref_squeeze %dma_wait3A_21 : memref<1x128xi32, #tpu.memory_space<vmem>> -> memref<128xi32, #tpu.memory_space<vmem>>
        %dma_wait3A_23 = arith.constant 0 : i32
        %dma_wait3A_24 = arith.constant 0 : i32
        %dma_wait3A_25 = tpu.memref_slice %arg10[%dma_wait3A_23, %dma_wait3A_24] : memref<10240x16xf32, #tpu.memory_space<vmem_shared>> -> memref<10240x16xf32, #tpu.memory_space<vmem_shared>>
        tpu.wait_indirect_dma semaphore(%run_scoped3A : memref<!tpu.dma_semaphore, #tpu.memory_space<semaphore_mem>>) src(%arg9 : memref<128x16xf32, #tpu.memory_space<vmem>>) dst(%dma_wait3A_25 : memref<10240x16xf32, #tpu.memory_space<vmem_shared>>)
        tpu.yield
      }) : () -> ()
    }
    %scan3A_9 = arith.constant 79 : i32
    %barrier3A_10 = arith.constant 0 : index
    tpu.barrier barrier_id(%barrier3A_10)
    %mul3A_11 = arith.constant 640 : i32
    %mul3A_12 = arith.muli %arg1, %mul3A_11 : i32
    %mul3A_13 = arith.constant 640 : i32
    %mul3A_14 = arith.muli %arg1, %mul3A_13 : i32
    "tpu.region"() ({
      %run_scoped3A = tpu.sem_alloc : memref<!tpu.dma_semaphore, #tpu.memory_space<semaphore_mem>>
      %dma_start3A = arith.constant 0 : i32
      %dma_start3A_15 = tpu.memref_slice %arg6[%arg0, %mul3A_14, %dma_start3A] : memref<2x10240x16xf32, #tpu.memory_space<hbm>> -> memref<1x640x16xf32, #tpu.memory_space<hbm>>
      %dma_start3A_16 = tpu.memref_squeeze %dma_start3A_15 : memref<1x640x16xf32, #tpu.memory_space<hbm>> -> memref<640x16xf32, #tpu.memory_space<hbm>>
      %dma_start3A_17 = arith.constant 0 : i32
      %dma_start3A_18 = tpu.memref_slice %arg10[%mul3A_12, %dma_start3A_17] : memref<10240x16xf32, #tpu.memory_space<vmem_shared>> -> memref<640x16xf32, #tpu.memory_space<vmem_shared>>
      tpu.enqueue_dma source(%dma_start3A_18 : memref<640x16xf32, #tpu.memory_space<vmem_shared>>) target(%dma_start3A_16 : memref<640x16xf32, #tpu.memory_space<hbm>>) target_semaphore(%run_scoped3A : memref<!tpu.dma_semaphore, #tpu.memory_space<semaphore_mem>>)
      %dma_wait3A = arith.constant 0 : i32
      %dma_wait3A_19 = tpu.memref_slice %arg6[%arg0, %mul3A_14, %dma_wait3A] : memref<2x10240x16xf32, #tpu.memory_space<hbm>> -> memref<1x640x16xf32, #tpu.memory_space<hbm>>
      %dma_wait3A_20 = tpu.memref_squeeze %dma_wait3A_19 : memref<1x640x16xf32, #tpu.memory_space<hbm>> -> memref<640x16xf32, #tpu.memory_space<hbm>>
      %dma_wait3A_21 = arith.constant 0 : i32
      %dma_wait3A_22 = tpu.memref_slice %arg10[%mul3A_12, %dma_wait3A_21] : memref<10240x16xf32, #tpu.memory_space<vmem_shared>> -> memref<640x16xf32, #tpu.memory_space<vmem_shared>>
      tpu.wait_dma2 semaphore(%run_scoped3A : memref<!tpu.dma_semaphore, #tpu.memory_space<semaphore_mem>>) src(%dma_wait3A_22 : memref<640x16xf32, #tpu.memory_space<vmem_shared>>) dst(%dma_wait3A_20 : memref<640x16xf32, #tpu.memory_space<hbm>>)
      tpu.yield
    }) : () -> ()
    return
  }
}

#map = affine_map<(d0, d1) -> (0, 0)>
module attributes {stable_mosaic.version = 14 : i64} {
  func.func @_head_body(%arg0: i32, %arg1: i32, %arg2: memref<32x64xi32, #tpu.memory_space<hbm>>, %arg3: memref<10240x16xf32, #tpu.memory_space<hbm>>, %arg4: memref<10240x16xf32, #tpu.memory_space<hbm>>, %arg5: memref<10240x16xf32, #tpu.memory_space<hbm>>, %arg6: memref<10240x16xf32, #tpu.memory_space<hbm>>, %arg7: memref<10240x16xi32, #tpu.memory_space<hbm>>, %arg8: memref<2048x16xf32, #tpu.memory_space<hbm>>, %arg9: memref<2048x16xf32, #tpu.memory_space<hbm>>, %arg10: memref<2048x16xf32, #tpu.memory_space<hbm>>, %arg11: memref<2048x16xf32, #tpu.memory_space<hbm>>, %arg12: memref<2048x16xi32, #tpu.memory_space<hbm>>, %arg13: memref<64xi32, #tpu.memory_space<vmem>>, %arg14: memref<64x16xf32, #tpu.memory_space<vmem>>, %arg15: memref<64x16xf32, #tpu.memory_space<vmem>>, %arg16: memref<64x16xf32, #tpu.memory_space<vmem>>, %arg17: memref<64x16xf32, #tpu.memory_space<vmem>>, %arg18: memref<64x16xi32, #tpu.memory_space<vmem>>) attributes {dimension_semantics = [#tpu.dimension_semantics<core_parallel>, #tpu.dimension_semantics<subcore_parallel>], iteration_bounds = array<i64: 2, 16>, scalar_prefetch = 0 : i64, scratch_operands = 6 : i64, tpu.core_type = #tpu.core_type<sc_vector_subcore>, window_params = [{transform_indices = #map}, {transform_indices = #map}, {transform_indices = #map}, {transform_indices = #map}, {transform_indices = #map}, {transform_indices = #map}, {transform_indices = #map}, {transform_indices = #map}, {transform_indices = #map}, {transform_indices = #map}, {transform_indices = #map}]} {
    %mul3A = arith.constant 16 : i32
    %mul3A_0 = arith.muli %arg0, %mul3A : i32
    %add3A = arith.addi %mul3A_0, %arg1 : i32
    "tpu.region"() ({
      %run_scoped3A = tpu.sem_alloc : memref<!tpu.dma_semaphore, #tpu.memory_space<semaphore_mem>>
      %dma_start3A = arith.constant 0 : i32
      %dma_start3A_3 = tpu.memref_slice %arg2[%add3A, %dma_start3A] : memref<32x64xi32, #tpu.memory_space<hbm>> -> memref<1x64xi32, #tpu.memory_space<hbm>>
      %dma_start3A_4 = tpu.memref_squeeze %dma_start3A_3 : memref<1x64xi32, #tpu.memory_space<hbm>> -> memref<64xi32, #tpu.memory_space<hbm>>
      %dma_start3A_5 = arith.constant 0 : i32
      %dma_start3A_6 = tpu.memref_slice %arg2[%add3A, %dma_start3A_5] : memref<32x64xi32, #tpu.memory_space<hbm>> -> memref<1x64xi32, #tpu.memory_space<hbm>>
      %dma_start3A_7 = tpu.memref_squeeze %dma_start3A_6 : memref<1x64xi32, #tpu.memory_space<hbm>> -> memref<64xi32, #tpu.memory_space<hbm>>
      tpu.enqueue_dma source(%dma_start3A_7 : memref<64xi32, #tpu.memory_space<hbm>>) target(%arg13 : memref<64xi32, #tpu.memory_space<vmem>>) target_semaphore(%run_scoped3A : memref<!tpu.dma_semaphore, #tpu.memory_space<semaphore_mem>>)
      %dma_wait3A = arith.constant 0 : i32
      %dma_wait3A_8 = tpu.memref_slice %arg2[%add3A, %dma_wait3A] : memref<32x64xi32, #tpu.memory_space<hbm>> -> memref<1x64xi32, #tpu.memory_space<hbm>>
      %dma_wait3A_9 = tpu.memref_squeeze %dma_wait3A_8 : memref<1x64xi32, #tpu.memory_space<hbm>> -> memref<64xi32, #tpu.memory_space<hbm>>
      %dma_wait3A_10 = arith.constant 0 : i32
      %dma_wait3A_11 = tpu.memref_slice %arg2[%add3A, %dma_wait3A_10] : memref<32x64xi32, #tpu.memory_space<hbm>> -> memref<1x64xi32, #tpu.memory_space<hbm>>
      %dma_wait3A_12 = tpu.memref_squeeze %dma_wait3A_11 : memref<1x64xi32, #tpu.memory_space<hbm>> -> memref<64xi32, #tpu.memory_space<hbm>>
      tpu.wait_dma2 semaphore(%run_scoped3A : memref<!tpu.dma_semaphore, #tpu.memory_space<semaphore_mem>>) src(%dma_wait3A_12 : memref<64xi32, #tpu.memory_space<hbm>>) dst(%arg13 : memref<64xi32, #tpu.memory_space<vmem>>)
      tpu.yield
    }) : () -> ()
    "tpu.region"() ({
      %run_scoped3A = tpu.sem_alloc : memref<!tpu.dma_semaphore, #tpu.memory_space<semaphore_mem>>
      %dma_start3A = arith.constant 0 : i32
      %dma_start3A_3 = arith.constant 0 : i32
      %dma_start3A_4 = tpu.memref_slice %arg3[%dma_start3A, %dma_start3A_3] : memref<10240x16xf32, #tpu.memory_space<hbm>> -> memref<10240x16xf32, #tpu.memory_space<hbm>>
      tpu.enqueue_indirect_dma source(%dma_start3A_4 : memref<10240x16xf32, #tpu.memory_space<hbm>>) target(%arg14 : memref<64x16xf32, #tpu.memory_space<vmem>>) offsets(%arg13 : memref<64xi32, #tpu.memory_space<vmem>>) semaphore(%run_scoped3A : memref<!tpu.dma_semaphore, #tpu.memory_space<semaphore_mem>>)
      %dma_wait3A = arith.constant 0 : i32
      %dma_wait3A_5 = arith.constant 0 : i32
      %dma_wait3A_6 = tpu.memref_slice %arg3[%dma_wait3A, %dma_wait3A_5] : memref<10240x16xf32, #tpu.memory_space<hbm>> -> memref<10240x16xf32, #tpu.memory_space<hbm>>
      tpu.wait_indirect_dma semaphore(%run_scoped3A : memref<!tpu.dma_semaphore, #tpu.memory_space<semaphore_mem>>) src(%dma_wait3A_6 : memref<10240x16xf32, #tpu.memory_space<hbm>>) dst(%arg14 : memref<64x16xf32, #tpu.memory_space<vmem>>)
      tpu.yield
    }) : () -> ()
    "tpu.region"() ({
      %run_scoped3A = tpu.sem_alloc : memref<!tpu.dma_semaphore, #tpu.memory_space<semaphore_mem>>
      %dma_start3A = arith.constant 0 : i32
      %dma_start3A_3 = arith.constant 0 : i32
      %dma_start3A_4 = tpu.memref_slice %arg4[%dma_start3A, %dma_start3A_3] : memref<10240x16xf32, #tpu.memory_space<hbm>> -> memref<10240x16xf32, #tpu.memory_space<hbm>>
      tpu.enqueue_indirect_dma source(%dma_start3A_4 : memref<10240x16xf32, #tpu.memory_space<hbm>>) target(%arg15 : memref<64x16xf32, #tpu.memory_space<vmem>>) offsets(%arg13 : memref<64xi32, #tpu.memory_space<vmem>>) semaphore(%run_scoped3A : memref<!tpu.dma_semaphore, #tpu.memory_space<semaphore_mem>>)
      %dma_wait3A = arith.constant 0 : i32
      %dma_wait3A_5 = arith.constant 0 : i32
      %dma_wait3A_6 = tpu.memref_slice %arg4[%dma_wait3A, %dma_wait3A_5] : memref<10240x16xf32, #tpu.memory_space<hbm>> -> memref<10240x16xf32, #tpu.memory_space<hbm>>
      tpu.wait_indirect_dma semaphore(%run_scoped3A : memref<!tpu.dma_semaphore, #tpu.memory_space<semaphore_mem>>) src(%dma_wait3A_6 : memref<10240x16xf32, #tpu.memory_space<hbm>>) dst(%arg15 : memref<64x16xf32, #tpu.memory_space<vmem>>)
      tpu.yield
    }) : () -> ()
    "tpu.region"() ({
      %run_scoped3A = tpu.sem_alloc : memref<!tpu.dma_semaphore, #tpu.memory_space<semaphore_mem>>
      %dma_start3A = arith.constant 0 : i32
      %dma_start3A_3 = arith.constant 0 : i32
      %dma_start3A_4 = tpu.memref_slice %arg5[%dma_start3A, %dma_start3A_3] : memref<10240x16xf32, #tpu.memory_space<hbm>> -> memref<10240x16xf32, #tpu.memory_space<hbm>>
      tpu.enqueue_indirect_dma source(%dma_start3A_4 : memref<10240x16xf32, #tpu.memory_space<hbm>>) target(%arg16 : memref<64x16xf32, #tpu.memory_space<vmem>>) offsets(%arg13 : memref<64xi32, #tpu.memory_space<vmem>>) semaphore(%run_scoped3A : memref<!tpu.dma_semaphore, #tpu.memory_space<semaphore_mem>>)
      %dma_wait3A = arith.constant 0 : i32
      %dma_wait3A_5 = arith.constant 0 : i32
      %dma_wait3A_6 = tpu.memref_slice %arg5[%dma_wait3A, %dma_wait3A_5] : memref<10240x16xf32, #tpu.memory_space<hbm>> -> memref<10240x16xf32, #tpu.memory_space<hbm>>
      tpu.wait_indirect_dma semaphore(%run_scoped3A : memref<!tpu.dma_semaphore, #tpu.memory_space<semaphore_mem>>) src(%dma_wait3A_6 : memref<10240x16xf32, #tpu.memory_space<hbm>>) dst(%arg16 : memref<64x16xf32, #tpu.memory_space<vmem>>)
      tpu.yield
    }) : () -> ()
    "tpu.region"() ({
      %run_scoped3A = tpu.sem_alloc : memref<!tpu.dma_semaphore, #tpu.memory_space<semaphore_mem>>
      %dma_start3A = arith.constant 0 : i32
      %dma_start3A_3 = arith.constant 0 : i32
      %dma_start3A_4 = tpu.memref_slice %arg6[%dma_start3A, %dma_start3A_3] : memref<10240x16xf32, #tpu.memory_space<hbm>> -> memref<10240x16xf32, #tpu.memory_space<hbm>>
      tpu.enqueue_indirect_dma source(%dma_start3A_4 : memref<10240x16xf32, #tpu.memory_space<hbm>>) target(%arg17 : memref<64x16xf32, #tpu.memory_space<vmem>>) offsets(%arg13 : memref<64xi32, #tpu.memory_space<vmem>>) semaphore(%run_scoped3A : memref<!tpu.dma_semaphore, #tpu.memory_space<semaphore_mem>>)
      %dma_wait3A = arith.constant 0 : i32
      %dma_wait3A_5 = arith.constant 0 : i32
      %dma_wait3A_6 = tpu.memref_slice %arg6[%dma_wait3A, %dma_wait3A_5] : memref<10240x16xf32, #tpu.memory_space<hbm>> -> memref<10240x16xf32, #tpu.memory_space<hbm>>
      tpu.wait_indirect_dma semaphore(%run_scoped3A : memref<!tpu.dma_semaphore, #tpu.memory_space<semaphore_mem>>) src(%dma_wait3A_6 : memref<10240x16xf32, #tpu.memory_space<hbm>>) dst(%arg17 : memref<64x16xf32, #tpu.memory_space<vmem>>)
      tpu.yield
    }) : () -> ()
    "tpu.region"() ({
      %run_scoped3A = tpu.sem_alloc : memref<!tpu.dma_semaphore, #tpu.memory_space<semaphore_mem>>
      %dma_start3A = arith.constant 0 : i32
      %dma_start3A_3 = arith.constant 0 : i32
      %dma_start3A_4 = tpu.memref_slice %arg7[%dma_start3A, %dma_start3A_3] : memref<10240x16xi32, #tpu.memory_space<hbm>> -> memref<10240x16xi32, #tpu.memory_space<hbm>>
      tpu.enqueue_indirect_dma source(%dma_start3A_4 : memref<10240x16xi32, #tpu.memory_space<hbm>>) target(%arg18 : memref<64x16xi32, #tpu.memory_space<vmem>>) offsets(%arg13 : memref<64xi32, #tpu.memory_space<vmem>>) semaphore(%run_scoped3A : memref<!tpu.dma_semaphore, #tpu.memory_space<semaphore_mem>>)
      %dma_wait3A = arith.constant 0 : i32
      %dma_wait3A_5 = arith.constant 0 : i32
      %dma_wait3A_6 = tpu.memref_slice %arg7[%dma_wait3A, %dma_wait3A_5] : memref<10240x16xi32, #tpu.memory_space<hbm>> -> memref<10240x16xi32, #tpu.memory_space<hbm>>
      tpu.wait_indirect_dma semaphore(%run_scoped3A : memref<!tpu.dma_semaphore, #tpu.memory_space<semaphore_mem>>) src(%dma_wait3A_6 : memref<10240x16xi32, #tpu.memory_space<hbm>>) dst(%arg18 : memref<64x16xi32, #tpu.memory_space<vmem>>)
      tpu.yield
    }) : () -> ()
    %mul3A_1 = arith.constant 64 : i32
    %mul3A_2 = arith.muli %add3A, %mul3A_1 : i32
    "tpu.region"() ({
      %run_scoped3A = tpu.sem_alloc : memref<!tpu.dma_semaphore, #tpu.memory_space<semaphore_mem>>
      %dma_start3A = arith.constant 0 : i32
      %dma_start3A_3 = tpu.memref_slice %arg8[%mul3A_2, %dma_start3A] : memref<2048x16xf32, #tpu.memory_space<hbm>> -> memref<64x16xf32, #tpu.memory_space<hbm>>
      %dma_start3A_4 = arith.constant 0 : i32
      %dma_start3A_5 = tpu.memref_slice %arg8[%mul3A_2, %dma_start3A_4] : memref<2048x16xf32, #tpu.memory_space<hbm>> -> memref<64x16xf32, #tpu.memory_space<hbm>>
      tpu.enqueue_dma source(%arg14 : memref<64x16xf32, #tpu.memory_space<vmem>>) target(%dma_start3A_5 : memref<64x16xf32, #tpu.memory_space<hbm>>) target_semaphore(%run_scoped3A : memref<!tpu.dma_semaphore, #tpu.memory_space<semaphore_mem>>)
      %dma_wait3A = arith.constant 0 : i32
      %dma_wait3A_6 = tpu.memref_slice %arg8[%mul3A_2, %dma_wait3A] : memref<2048x16xf32, #tpu.memory_space<hbm>> -> memref<64x16xf32, #tpu.memory_space<hbm>>
      %dma_wait3A_7 = arith.constant 0 : i32
      %dma_wait3A_8 = tpu.memref_slice %arg8[%mul3A_2, %dma_wait3A_7] : memref<2048x16xf32, #tpu.memory_space<hbm>> -> memref<64x16xf32, #tpu.memory_space<hbm>>
      tpu.wait_dma2 semaphore(%run_scoped3A : memref<!tpu.dma_semaphore, #tpu.memory_space<semaphore_mem>>) src(%arg14 : memref<64x16xf32, #tpu.memory_space<vmem>>) dst(%dma_wait3A_8 : memref<64x16xf32, #tpu.memory_space<hbm>>)
      tpu.yield
    }) : () -> ()
    "tpu.region"() ({
      %run_scoped3A = tpu.sem_alloc : memref<!tpu.dma_semaphore, #tpu.memory_space<semaphore_mem>>
      %dma_start3A = arith.constant 0 : i32
      %dma_start3A_3 = tpu.memref_slice %arg9[%mul3A_2, %dma_start3A] : memref<2048x16xf32, #tpu.memory_space<hbm>> -> memref<64x16xf32, #tpu.memory_space<hbm>>
      %dma_start3A_4 = arith.constant 0 : i32
      %dma_start3A_5 = tpu.memref_slice %arg9[%mul3A_2, %dma_start3A_4] : memref<2048x16xf32, #tpu.memory_space<hbm>> -> memref<64x16xf32, #tpu.memory_space<hbm>>
      tpu.enqueue_dma source(%arg15 : memref<64x16xf32, #tpu.memory_space<vmem>>) target(%dma_start3A_5 : memref<64x16xf32, #tpu.memory_space<hbm>>) target_semaphore(%run_scoped3A : memref<!tpu.dma_semaphore, #tpu.memory_space<semaphore_mem>>)
      %dma_wait3A = arith.constant 0 : i32
      %dma_wait3A_6 = tpu.memref_slice %arg9[%mul3A_2, %dma_wait3A] : memref<2048x16xf32, #tpu.memory_space<hbm>> -> memref<64x16xf32, #tpu.memory_space<hbm>>
      %dma_wait3A_7 = arith.constant 0 : i32
      %dma_wait3A_8 = tpu.memref_slice %arg9[%mul3A_2, %dma_wait3A_7] : memref<2048x16xf32, #tpu.memory_space<hbm>> -> memref<64x16xf32, #tpu.memory_space<hbm>>
      tpu.wait_dma2 semaphore(%run_scoped3A : memref<!tpu.dma_semaphore, #tpu.memory_space<semaphore_mem>>) src(%arg15 : memref<64x16xf32, #tpu.memory_space<vmem>>) dst(%dma_wait3A_8 : memref<64x16xf32, #tpu.memory_space<hbm>>)
      tpu.yield
    }) : () -> ()
    "tpu.region"() ({
      %run_scoped3A = tpu.sem_alloc : memref<!tpu.dma_semaphore, #tpu.memory_space<semaphore_mem>>
      %dma_start3A = arith.constant 0 : i32
      %dma_start3A_3 = tpu.memref_slice %arg10[%mul3A_2, %dma_start3A] : memref<2048x16xf32, #tpu.memory_space<hbm>> -> memref<64x16xf32, #tpu.memory_space<hbm>>
      %dma_start3A_4 = arith.constant 0 : i32
      %dma_start3A_5 = tpu.memref_slice %arg10[%mul3A_2, %dma_start3A_4] : memref<2048x16xf32, #tpu.memory_space<hbm>> -> memref<64x16xf32, #tpu.memory_space<hbm>>
      tpu.enqueue_dma source(%arg16 : memref<64x16xf32, #tpu.memory_space<vmem>>) target(%dma_start3A_5 : memref<64x16xf32, #tpu.memory_space<hbm>>) target_semaphore(%run_scoped3A : memref<!tpu.dma_semaphore, #tpu.memory_space<semaphore_mem>>)
      %dma_wait3A = arith.constant 0 : i32
      %dma_wait3A_6 = tpu.memref_slice %arg10[%mul3A_2, %dma_wait3A] : memref<2048x16xf32, #tpu.memory_space<hbm>> -> memref<64x16xf32, #tpu.memory_space<hbm>>
      %dma_wait3A_7 = arith.constant 0 : i32
      %dma_wait3A_8 = tpu.memref_slice %arg10[%mul3A_2, %dma_wait3A_7] : memref<2048x16xf32, #tpu.memory_space<hbm>> -> memref<64x16xf32, #tpu.memory_space<hbm>>
      tpu.wait_dma2 semaphore(%run_scoped3A : memref<!tpu.dma_semaphore, #tpu.memory_space<semaphore_mem>>) src(%arg16 : memref<64x16xf32, #tpu.memory_space<vmem>>) dst(%dma_wait3A_8 : memref<64x16xf32, #tpu.memory_space<hbm>>)
      tpu.yield
    }) : () -> ()
    "tpu.region"() ({
      %run_scoped3A = tpu.sem_alloc : memref<!tpu.dma_semaphore, #tpu.memory_space<semaphore_mem>>
      %dma_start3A = arith.constant 0 : i32
      %dma_start3A_3 = tpu.memref_slice %arg11[%mul3A_2, %dma_start3A] : memref<2048x16xf32, #tpu.memory_space<hbm>> -> memref<64x16xf32, #tpu.memory_space<hbm>>
      %dma_start3A_4 = arith.constant 0 : i32
      %dma_start3A_5 = tpu.memref_slice %arg11[%mul3A_2, %dma_start3A_4] : memref<2048x16xf32, #tpu.memory_space<hbm>> -> memref<64x16xf32, #tpu.memory_space<hbm>>
      tpu.enqueue_dma source(%arg17 : memref<64x16xf32, #tpu.memory_space<vmem>>) target(%dma_start3A_5 : memref<64x16xf32, #tpu.memory_space<hbm>>) target_semaphore(%run_scoped3A : memref<!tpu.dma_semaphore, #tpu.memory_space<semaphore_mem>>)
      %dma_wait3A = arith.constant 0 : i32
      %dma_wait3A_6 = tpu.memref_slice %arg11[%mul3A_2, %dma_wait3A] : memref<2048x16xf32, #tpu.memory_space<hbm>> -> memref<64x16xf32, #tpu.memory_space<hbm>>
      %dma_wait3A_7 = arith.constant 0 : i32
      %dma_wait3A_8 = tpu.memref_slice %arg11[%mul3A_2, %dma_wait3A_7] : memref<2048x16xf32, #tpu.memory_space<hbm>> -> memref<64x16xf32, #tpu.memory_space<hbm>>
      tpu.wait_dma2 semaphore(%run_scoped3A : memref<!tpu.dma_semaphore, #tpu.memory_space<semaphore_mem>>) src(%arg17 : memref<64x16xf32, #tpu.memory_space<vmem>>) dst(%dma_wait3A_8 : memref<64x16xf32, #tpu.memory_space<hbm>>)
      tpu.yield
    }) : () -> ()
    "tpu.region"() ({
      %run_scoped3A = tpu.sem_alloc : memref<!tpu.dma_semaphore, #tpu.memory_space<semaphore_mem>>
      %dma_start3A = arith.constant 0 : i32
      %dma_start3A_3 = tpu.memref_slice %arg12[%mul3A_2, %dma_start3A] : memref<2048x16xi32, #tpu.memory_space<hbm>> -> memref<64x16xi32, #tpu.memory_space<hbm>>
      %dma_start3A_4 = arith.constant 0 : i32
      %dma_start3A_5 = tpu.memref_slice %arg12[%mul3A_2, %dma_start3A_4] : memref<2048x16xi32, #tpu.memory_space<hbm>> -> memref<64x16xi32, #tpu.memory_space<hbm>>
      tpu.enqueue_dma source(%arg18 : memref<64x16xi32, #tpu.memory_space<vmem>>) target(%dma_start3A_5 : memref<64x16xi32, #tpu.memory_space<hbm>>) target_semaphore(%run_scoped3A : memref<!tpu.dma_semaphore, #tpu.memory_space<semaphore_mem>>)
      %dma_wait3A = arith.constant 0 : i32
      %dma_wait3A_6 = tpu.memref_slice %arg12[%mul3A_2, %dma_wait3A] : memref<2048x16xi32, #tpu.memory_space<hbm>> -> memref<64x16xi32, #tpu.memory_space<hbm>>
      %dma_wait3A_7 = arith.constant 0 : i32
      %dma_wait3A_8 = tpu.memref_slice %arg12[%mul3A_2, %dma_wait3A_7] : memref<2048x16xi32, #tpu.memory_space<hbm>> -> memref<64x16xi32, #tpu.memory_space<hbm>>
      tpu.wait_dma2 semaphore(%run_scoped3A : memref<!tpu.dma_semaphore, #tpu.memory_space<semaphore_mem>>) src(%arg18 : memref<64x16xi32, #tpu.memory_space<vmem>>) dst(%dma_wait3A_8 : memref<64x16xi32, #tpu.memory_space<hbm>>)
      tpu.yield
    }) : () -> ()
    return
  }
}

module attributes {stable_mosaic.version = 14 : i64} {
  func.func @_mm1_body(%arg0: i32, %arg1: memref<1024x128xf32, #tpu.memory_space<vmem>>, %arg2: memref<128x128xf32, #tpu.memory_space<vmem>>, %arg3: memref<1024x1xf32, #tpu.memory_space<vmem>>, %arg4: memref<1024x1xf32, #tpu.memory_space<vmem>>, %arg5: memref<1024x128xf32, #tpu.memory_space<vmem>>, %arg6: memref<1024x1xf32, #tpu.memory_space<vmem>>, %arg7: memref<1024x16xf32, #tpu.memory_space<vmem>>) attributes {dimension_semantics = [#tpu.dimension_semantics<arbitrary>], iteration_bounds = array<i64: 10>, scalar_prefetch = 0 : i64, scratch_operands = 0 : i64, tpu.core_type = #tpu.core_type<tc>, window_params = [{transform_indices = @transform_0, window_bounds = array<i64: 1024, 128>}, {pipeline_mode = #tpu.pipeline_mode<synchronous>, transform_indices = @transform_1, window_bounds = array<i64: 128, 128>}, {transform_indices = @transform_2, window_bounds = array<i64: 1024, 1>}, {transform_indices = @transform_3, window_bounds = array<i64: 1024, 1>}, {transform_indices = @transform_4, window_bounds = array<i64: 1024, 128>}, {transform_indices = @transform_5, window_bounds = array<i64: 1024, 1>}, {transform_indices = @transform_6, window_bounds = array<i64: 1024, 16>}]} {
    %get3A = arith.constant 0 : index
    %get3A_0 = arith.constant 0 : index
    %get3A_1 = vector.load %arg3[%get3A, %get3A_0] : memref<1024x1xf32, #tpu.memory_space<vmem>>, vector<1024x1xf32>
    %get3A_2 = arith.constant 0 : index
    %get3A_3 = arith.constant 0 : index
    %get3A_4 = vector.load %arg4[%get3A_2, %get3A_3] : memref<1024x1xf32, #tpu.memory_space<vmem>>, vector<1024x1xf32>
    %add3A = arith.addf %get3A_1, %get3A_4 : vector<1024x1xf32>
    %add3A_5 = arith.constant 1.000000e+00 : f32
    %add3A_6 = vector.broadcast %add3A_5 : f32 to vector<1024x1xf32>
    %add3A_7 = arith.addf %add3A, %add3A_6 : vector<1024x1xf32>
    %max3A = arith.constant 1.000000e+00 : f32
    %max3A_8 = vector.broadcast %max3A : f32 to vector<1024x1xf32>
    %max3A_9 = arith.maximumf %add3A_7, %max3A_8 : vector<1024x1xf32>
    %rsqrt3A = math.rsqrt %max3A_9 : vector<1024x1xf32>
    %get3A_10 = arith.constant 0 : index
    %get3A_11 = arith.constant 0 : index
    %get3A_12 = vector.load %arg1[%get3A_10, %get3A_11] : memref<1024x128xf32, #tpu.memory_space<vmem>>, vector<1024x128xf32>
    %get3A_13 = arith.constant 0 : index
    %get3A_14 = arith.constant 0 : index
    %get3A_15 = vector.load %arg2[%get3A_13, %get3A_14] : memref<128x128xf32, #tpu.memory_space<vmem>>, vector<128x128xf32>
    %dot_general3A = arith.constant dense<0.000000e+00> : vector<1024x128xf32>
    %dot_general3A_16 = tpu.matmul %get3A_12, %get3A_15, %dot_general3A {dimension_numbers = #tpu.dot_dimension_numbers<[1], [0], [0], [1], [0, 0, 1, 1], [], []>, transpose_lhs_hint = false} : vector<1024x128xf32>, vector<128x128xf32>, vector<1024x128xf32> -> vector<1024x128xf32>
    %mul3A = vector.broadcast %rsqrt3A : vector<1024x1xf32> to vector<1024x128xf32>
    %mul3A_17 = arith.mulf %dot_general3A_16, %mul3A : vector<1024x128xf32>
    %swap3A = arith.constant 0 : index
    %swap3A_18 = arith.constant 0 : index
    %swap3A_19 = vector.load %arg5[%swap3A, %swap3A_18] : memref<1024x128xf32, #tpu.memory_space<vmem>>, vector<1024x128xf32>
    tpu.vector_store %arg5[%swap3A, %swap3A_18], %mul3A_17 {strides = array<i32>} : memref<1024x128xf32, #tpu.memory_space<vmem>>, vector<1024x128xf32>,
    %swap3A_20 = arith.constant 0 : index
    %swap3A_21 = arith.constant 0 : index
    %swap3A_22 = vector.load %arg6[%swap3A_20, %swap3A_21] : memref<1024x1xf32, #tpu.memory_space<vmem>>, vector<1024x1xf32>
    tpu.vector_store %arg6[%swap3A_20, %swap3A_21], %rsqrt3A {strides = array<i32>} : memref<1024x1xf32, #tpu.memory_space<vmem>>, vector<1024x1xf32>,
    %broadcast_in_dim3A = vector.shape_cast %rsqrt3A : vector<1024x1xf32> to vector<1024x1xf32>
    %broadcast_in_dim3A_23 = vector.broadcast %broadcast_in_dim3A : vector<1024x1xf32> to vector<1024x16xf32>
    %swap3A_24 = arith.constant 0 : index
    %swap3A_25 = arith.constant 0 : index
    %swap3A_26 = vector.load %arg7[%swap3A_24, %swap3A_25] : memref<1024x16xf32, #tpu.memory_space<vmem>>, vector<1024x16xf32>
    tpu.vector_store %arg7[%swap3A_24, %swap3A_25], %broadcast_in_dim3A_23 {strides = array<i32>} : memref<1024x16xf32, #tpu.memory_space<vmem>>, vector<1024x16xf32>,
    return
  }
  func.func @transform_0(%arg0: i32) -> (i32, i32) {
    %c0_i32 = arith.constant 0 : i32
    %c0_i32_0 = arith.constant 0 : i32
    return %arg0, %c0_i32 : i32, i32
  }
  func.func @transform_1(%arg0: i32) -> (i32, i32) {
    %c0_i32 = arith.constant 0 : i32
    %c0_i32_0 = arith.constant 0 : i32
    %c0_i32_1 = arith.constant 0 : i32
    return %c0_i32, %c0_i32_0 : i32, i32
  }
  func.func @transform_2(%arg0: i32) -> (i32, i32) {
    %c0_i32 = arith.constant 0 : i32
    %c0_i32_0 = arith.constant 0 : i32
    return %arg0, %c0_i32 : i32, i32
  }
  func.func @transform_3(%arg0: i32) -> (i32, i32) {
    %c0_i32 = arith.constant 0 : i32
    %c0_i32_0 = arith.constant 0 : i32
    return %arg0, %c0_i32 : i32, i32
  }
  func.func @transform_4(%arg0: i32) -> (i32, i32) {
    %c0_i32 = arith.constant 0 : i32
    %c0_i32_0 = arith.constant 0 : i32
    return %arg0, %c0_i32 : i32, i32
  }
  func.func @transform_5(%arg0: i32) -> (i32, i32) {
    %c0_i32 = arith.constant 0 : i32
    %c0_i32_0 = arith.constant 0 : i32
    return %arg0, %c0_i32 : i32, i32
  }
  func.func @transform_6(%arg0: i32) -> (i32, i32) {
    %c0_i32 = arith.constant 0 : i32
    %c0_i32_0 = arith.constant 0 : i32
    return %arg0, %c0_i32 : i32, i32
  }
}

module attributes {stable_mosaic.version = 14 : i64} {
  func.func @_mm2_body(%arg0: i32, %arg1: memref<1024x128xf32, #tpu.memory_space<vmem>>, %arg2: memref<1024x128xf32, #tpu.memory_space<vmem>>, %arg3: memref<1024x128xf32, #tpu.memory_space<vmem>>, %arg4: memref<1024x1xf32, #tpu.memory_space<vmem>>, %arg5: memref<1x128xf32, #tpu.memory_space<vmem>>, %arg6: memref<128x16xf32, #tpu.memory_space<vmem>>, %arg7: memref<1024x16xf32, #tpu.memory_space<vmem>>) attributes {dimension_semantics = [#tpu.dimension_semantics<arbitrary>], iteration_bounds = array<i64: 10>, scalar_prefetch = 0 : i64, scratch_operands = 0 : i64, tpu.core_type = #tpu.core_type<tc>, window_params = [{transform_indices = @transform_0, window_bounds = array<i64: 1024, 128>}, {transform_indices = @transform_1, window_bounds = array<i64: 1024, 128>}, {transform_indices = @transform_2, window_bounds = array<i64: 1024, 128>}, {transform_indices = @transform_3, window_bounds = array<i64: 1024, 1>}, {pipeline_mode = #tpu.pipeline_mode<synchronous>, transform_indices = @transform_4, window_bounds = array<i64: 1, 128>}, {pipeline_mode = #tpu.pipeline_mode<synchronous>, transform_indices = @transform_5, window_bounds = array<i64: 128, 16>}, {transform_indices = @transform_6, window_bounds = array<i64: 1024, 16>}]} {
    %get3A = arith.constant 0 : index
    %get3A_0 = arith.constant 0 : index
    %get3A_1 = vector.load %arg4[%get3A, %get3A_0] : memref<1024x1xf32, #tpu.memory_space<vmem>>, vector<1024x1xf32>
    %get3A_2 = arith.constant 0 : index
    %get3A_3 = arith.constant 0 : index
    %get3A_4 = vector.load %arg1[%get3A_2, %get3A_3] : memref<1024x128xf32, #tpu.memory_space<vmem>>, vector<1024x128xf32>
    %get3A_5 = arith.constant 0 : index
    %get3A_6 = arith.constant 0 : index
    %get3A_7 = vector.load %arg2[%get3A_5, %get3A_6] : memref<1024x128xf32, #tpu.memory_space<vmem>>, vector<1024x128xf32>
    %add3A = arith.addf %get3A_4, %get3A_7 : vector<1024x128xf32>
    %get3A_8 = arith.constant 0 : index
    %get3A_9 = arith.constant 0 : index
    %get3A_10 = vector.load %arg3[%get3A_8, %get3A_9] : memref<1024x128xf32, #tpu.memory_space<vmem>>, vector<1024x128xf32>
    %add3A_11 = arith.addf %add3A, %get3A_10 : vector<1024x128xf32>
    %mul3A = vector.broadcast %get3A_1 : vector<1024x1xf32> to vector<1024x128xf32>
    %mul3A_12 = arith.mulf %mul3A, %add3A_11 : vector<1024x128xf32>
    %get3A_13 = arith.constant 0 : index
    %get3A_14 = arith.constant 0 : index
    %get3A_15 = vector.load %arg5[%get3A_13, %get3A_14] : memref<1x128xf32, #tpu.memory_space<vmem>>, vector<1x128xf32>
    %add3A_16 = vector.broadcast %get3A_15 : vector<1x128xf32> to vector<1024x128xf32>
    %add3A_17 = arith.addf %mul3A_12, %add3A_16 : vector<1024x128xf32>
    %max3A = arith.constant 0.000000e+00 : f32
    %max3A_18 = vector.broadcast %max3A : f32 to vector<1024x128xf32>
    %max3A_19 = arith.maximumf %add3A_17, %max3A_18 : vector<1024x128xf32>
    %get3A_20 = arith.constant 0 : index
    %get3A_21 = arith.constant 0 : index
    %get3A_22 = vector.load %arg6[%get3A_20, %get3A_21] : memref<128x16xf32, #tpu.memory_space<vmem>>, vector<128x16xf32>
    %dot_general3A = arith.constant dense<0.000000e+00> : vector<1024x16xf32>
    %dot_general3A_23 = tpu.matmul %max3A_19, %get3A_22, %dot_general3A {dimension_numbers = #tpu.dot_dimension_numbers<[1], [0], [0], [1], [0, 0, 1, 1], [], []>, transpose_lhs_hint = false} : vector<1024x128xf32>, vector<128x16xf32>, vector<1024x16xf32> -> vector<1024x16xf32>
    %mul3A_24 = vector.broadcast %get3A_1 : vector<1024x1xf32> to vector<1024x16xf32>
    %mul3A_25 = arith.mulf %dot_general3A_23, %mul3A_24 : vector<1024x16xf32>
    %swap3A = arith.constant 0 : index
    %swap3A_26 = arith.constant 0 : index
    %swap3A_27 = vector.load %arg7[%swap3A, %swap3A_26] : memref<1024x16xf32, #tpu.memory_space<vmem>>, vector<1024x16xf32>
    tpu.vector_store %arg7[%swap3A, %swap3A_26], %mul3A_25 {strides = array<i32>} : memref<1024x16xf32, #tpu.memory_space<vmem>>, vector<1024x16xf32>,
    return
  }
  func.func @transform_0(%arg0: i32) -> (i32, i32) {
    %c0_i32 = arith.constant 0 : i32
    %c0_i32_0 = arith.constant 0 : i32
    return %arg0, %c0_i32 : i32, i32
  }
  func.func @transform_1(%arg0: i32) -> (i32, i32) {
    %c0_i32 = arith.constant 0 : i32
    %c0_i32_0 = arith.constant 0 : i32
    return %arg0, %c0_i32 : i32, i32
  }
  func.func @transform_2(%arg0: i32) -> (i32, i32) {
    %c0_i32 = arith.constant 0 : i32
    %c0_i32_0 = arith.constant 0 : i32
    return %arg0, %c0_i32 : i32, i32
  }
  func.func @transform_3(%arg0: i32) -> (i32, i32) {
    %c0_i32 = arith.constant 0 : i32
    %c0_i32_0 = arith.constant 0 : i32
    return %arg0, %c0_i32 : i32, i32
  }
  func.func @transform_4(%arg0: i32) -> (i32, i32) {
    %c0_i32 = arith.constant 0 : i32
    %c0_i32_0 = arith.constant 0 : i32
    %c0_i32_1 = arith.constant 0 : i32
    return %c0_i32, %c0_i32_0 : i32, i32
  }
  func.func @transform_5(%arg0: i32) -> (i32, i32) {
    %c0_i32 = arith.constant 0 : i32
    %c0_i32_0 = arith.constant 0 : i32
    %c0_i32_1 = arith.constant 0 : i32
    return %c0_i32, %c0_i32_0 : i32, i32
  }
  func.func @transform_6(%arg0: i32) -> (i32, i32) {
    %c0_i32 = arith.constant 0 : i32
    %c0_i32_0 = arith.constant 0 : i32
    return %arg0, %c0_i32 : i32, i32
  }
}

module attributes {stable_mosaic.version = 14 : i64} {
  func.func @_loss_body(%arg0: i32, %arg1: memref<2048x16xf32, #tpu.memory_space<vmem>>, %arg2: memref<2048x16xf32, #tpu.memory_space<vmem>>, %arg3: memref<2048x16xf32, #tpu.memory_space<vmem>>, %arg4: memref<2048x16xf32, #tpu.memory_space<vmem>>, %arg5: memref<2048x16xi32, #tpu.memory_space<vmem>>, %arg6: memref<1x16xf32, #tpu.memory_space<vmem>>, %arg7: memref<2048x16xf32, #tpu.memory_space<vmem>>, %arg8: memref<1x1xf32, #tpu.memory_space<vmem>>) attributes {dimension_semantics = [#tpu.dimension_semantics<arbitrary>], iteration_bounds = array<i64: 1>, scalar_prefetch = 0 : i64, scratch_operands = 0 : i64, tpu.core_type = #tpu.core_type<tc>, window_params = [{pipeline_mode = #tpu.pipeline_mode<synchronous>, transform_indices = @transform_0, window_bounds = array<i64: 2048, 16>}, {pipeline_mode = #tpu.pipeline_mode<synchronous>, transform_indices = @transform_1, window_bounds = array<i64: 2048, 16>}, {pipeline_mode = #tpu.pipeline_mode<synchronous>, transform_indices = @transform_2, window_bounds = array<i64: 2048, 16>}, {pipeline_mode = #tpu.pipeline_mode<synchronous>, transform_indices = @transform_3, window_bounds = array<i64: 2048, 16>}, {pipeline_mode = #tpu.pipeline_mode<synchronous>, transform_indices = @transform_4, window_bounds = array<i64: 2048, 16>}, {pipeline_mode = #tpu.pipeline_mode<synchronous>, transform_indices = @transform_5, window_bounds = array<i64: 1, 16>}, {pipeline_mode = #tpu.pipeline_mode<synchronous>, transform_indices = @transform_6, window_bounds = array<i64: 2048, 16>}, {pipeline_mode = #tpu.pipeline_mode<synchronous>, transform_indices = @transform_7, window_bounds = array<i64: 1, 1>}]} {
    %get3A = arith.constant 0 : index
    %get3A_0 = arith.constant 0 : index
    %get3A_1 = vector.load %arg4[%get3A, %get3A_0] : memref<2048x16xf32, #tpu.memory_space<vmem>>, vector<2048x16xf32>
    %get3A_2 = arith.constant 0 : index
    %get3A_3 = arith.constant 0 : index
    %get3A_4 = vector.load %arg1[%get3A_2, %get3A_3] : memref<2048x16xf32, #tpu.memory_space<vmem>>, vector<2048x16xf32>
    %get3A_5 = arith.constant 0 : index
    %get3A_6 = arith.constant 0 : index
    %get3A_7 = vector.load %arg2[%get3A_5, %get3A_6] : memref<2048x16xf32, #tpu.memory_space<vmem>>, vector<2048x16xf32>
    %add3A = arith.addf %get3A_4, %get3A_7 : vector<2048x16xf32>
    %get3A_8 = arith.constant 0 : index
    %get3A_9 = arith.constant 0 : index
    %get3A_10 = vector.load %arg3[%get3A_8, %get3A_9] : memref<2048x16xf32, #tpu.memory_space<vmem>>, vector<2048x16xf32>
    %add3A_11 = arith.addf %add3A, %get3A_10 : vector<2048x16xf32>
    %mul3A = arith.mulf %get3A_1, %add3A_11 : vector<2048x16xf32>
    %get3A_12 = arith.constant 0 : index
    %get3A_13 = arith.constant 0 : index
    %get3A_14 = vector.load %arg6[%get3A_12, %get3A_13] : memref<1x16xf32, #tpu.memory_space<vmem>>, vector<1x16xf32>
    %add3A_15 = vector.broadcast %get3A_14 : vector<1x16xf32> to vector<2048x16xf32>
    %add3A_16 = arith.addf %mul3A, %add3A_15 : vector<2048x16xf32>
    %reduce_max3A = arith.constant dense<0xFF800000> : vector<2048xf32>
    %reduce_max3A_17 = vector.multi_reduction <maximumf>, %add3A_16, %reduce_max3A [1] : vector<2048x16xf32> to vector<2048xf32>
    %broadcast_in_dim3A = vector.shape_cast %reduce_max3A_17 : vector<2048xf32> to vector<2048x1xf32>
    %sub3A = vector.broadcast %broadcast_in_dim3A : vector<2048x1xf32> to vector<2048x16xf32>
    %sub3A_18 = arith.subf %add3A_16, %sub3A : vector<2048x16xf32>
    %exp3A = math.exp %sub3A_18 : vector<2048x16xf32>
    %reduce_sum3A = arith.constant dense<0.000000e+00> : vector<2048xf32>
    %reduce_sum3A_19 = vector.multi_reduction <add>, %exp3A, %reduce_sum3A [1] : vector<2048x16xf32> to vector<2048xf32>
    %broadcast_in_dim3A_20 = vector.shape_cast %reduce_sum3A_19 : vector<2048xf32> to vector<2048x1xf32>
    %log3A = math.log %broadcast_in_dim3A_20 : vector<2048x1xf32>
    %add3A_21 = arith.addf %broadcast_in_dim3A, %log3A : vector<2048x1xf32>
    %iota3A = tpu.iota {dimensions = array<i32: 1>} : vector<2048x16xi32>
    %get3A_22 = arith.constant 0 : index
    %get3A_23 = arith.constant 0 : index
    %get3A_24 = vector.load %arg5[%get3A_22, %get3A_23] : memref<2048x16xi32, #tpu.memory_space<vmem>>, vector<2048x16xi32>
    %eq3A = arith.cmpi eq, %iota3A, %get3A_24 : vector<2048x16xi32>
    %jit3A = arith.constant 0.000000e+00 : f32
    %broadcast_in_dim3A_25 = vector.broadcast %jit3A : f32 to vector<2048x16xf32>
    %select_n3A = arith.select %eq3A, %add3A_16, %broadcast_in_dim3A_25 : vector<2048x16xi1>, vector<2048x16xf32>
    %reduce_sum3A_26 = arith.constant dense<0.000000e+00> : vector<2048xf32>
    %reduce_sum3A_27 = vector.multi_reduction <add>, %select_n3A, %reduce_sum3A_26 [1] : vector<2048x16xf32> to vector<2048xf32>
    %broadcast_in_dim3A_28 = vector.shape_cast %reduce_sum3A_27 : vector<2048xf32> to vector<2048x1xf32>
    %sub3A_29 = arith.subf %add3A_21, %broadcast_in_dim3A_28 : vector<2048x1xf32>
    %iota3A_30 = tpu.iota {dimensions = array<i32: 0>} : vector<2048x1xi32>
    %lt3A = arith.constant 2000 : i32
    %lt3A_31 = vector.broadcast %lt3A : i32 to vector<2048x1xi32>
    %lt3A_32 = arith.cmpi slt, %iota3A_30, %lt3A_31 : vector<2048x1xi32>
    %jit3A_33 = arith.constant 0.000000e+00 : f32
    %broadcast_in_dim3A_34 = vector.broadcast %jit3A_33 : f32 to vector<2048x1xf32>
    %select_n3A_35 = arith.select %lt3A_32, %sub3A_29, %broadcast_in_dim3A_34 : vector<2048x1xi1>, vector<2048x1xf32>
    %reduce_sum3A_36 = vector.shape_cast %select_n3A_35 : vector<2048x1xf32> to vector<1x2048x1xf32>
    %reduce_sum3A_37 = arith.constant dense<0.000000e+00> : vector<1xf32>
    %reduce_sum3A_38 = vector.multi_reduction <add>, %reduce_sum3A_36, %reduce_sum3A_37 [1, 2] : vector<1x2048x1xf32> to vector<1xf32>
    %reduce_sum3A_39 = vector.shape_cast %reduce_sum3A_38 : vector<1xf32> to vector<1x1x1xf32>
    %reduce_sum3A_40 = vector.extract %reduce_sum3A_39[0, 0, 0] : f32 from vector<1x1x1xf32>
    %div3A = arith.constant 2.000000e+03 : f32
    %div3A_41 = arith.divf %reduce_sum3A_40, %div3A : f32
    %swap3A = arith.constant 0 : index
    %swap3A_42 = arith.constant 0 : index
    %swap3A_43 = vector.load %arg7[%swap3A, %swap3A_42] : memref<2048x16xf32, #tpu.memory_space<vmem>>, vector<2048x16xf32>
    tpu.vector_store %arg7[%swap3A, %swap3A_42], %add3A_16 {strides = array<i32>} : memref<2048x16xf32, #tpu.memory_space<vmem>>, vector<2048x16xf32>,
    %reshape3A = vector.broadcast %div3A_41 : f32 to vector<1x1xf32>
    %swap3A_44 = arith.constant 0 : index
    %swap3A_45 = arith.constant 0 : index
    %swap3A_46 = vector.load %arg8[%swap3A_44, %swap3A_45] : memref<1x1xf32, #tpu.memory_space<vmem>>, vector<1x1xf32>
    tpu.vector_store %arg8[%swap3A_44, %swap3A_45], %reshape3A {strides = array<i32>} : memref<1x1xf32, #tpu.memory_space<vmem>>, vector<1x1xf32>,
    return
  }
  func.func @transform_0(%arg0: i32) -> (i32, i32) {
    %c0_i32 = arith.constant 0 : i32
    %c0_i32_0 = arith.constant 0 : i32
    %c0_i32_1 = arith.constant 0 : i32
    return %c0_i32, %c0_i32_0 : i32, i32
  }
  func.func @transform_1(%arg0: i32) -> (i32, i32) {
    %c0_i32 = arith.constant 0 : i32
    %c0_i32_0 = arith.constant 0 : i32
    %c0_i32_1 = arith.constant 0 : i32
    return %c0_i32, %c0_i32_0 : i32, i32
  }
  func.func @transform_2(%arg0: i32) -> (i32, i32) {
    %c0_i32 = arith.constant 0 : i32
    %c0_i32_0 = arith.constant 0 : i32
    %c0_i32_1 = arith.constant 0 : i32
    return %c0_i32, %c0_i32_0 : i32, i32
  }
  func.func @transform_3(%arg0: i32) -> (i32, i32) {
    %c0_i32 = arith.constant 0 : i32
    %c0_i32_0 = arith.constant 0 : i32
    %c0_i32_1 = arith.constant 0 : i32
    return %c0_i32, %c0_i32_0 : i32, i32
  }
  func.func @transform_4(%arg0: i32) -> (i32, i32) {
    %c0_i32 = arith.constant 0 : i32
    %c0_i32_0 = arith.constant 0 : i32
    %c0_i32_1 = arith.constant 0 : i32
    return %c0_i32, %c0_i32_0 : i32, i32
  }
  func.func @transform_5(%arg0: i32) -> (i32, i32) {
    %c0_i32 = arith.constant 0 : i32
    %c0_i32_0 = arith.constant 0 : i32
    %c0_i32_1 = arith.constant 0 : i32
    return %c0_i32, %c0_i32_0 : i32, i32
  }
  func.func @transform_6(%arg0: i32) -> (i32, i32) {
    %c0_i32 = arith.constant 0 : i32
    %c0_i32_0 = arith.constant 0 : i32
    %c0_i32_1 = arith.constant 0 : i32
    return %c0_i32, %c0_i32_0 : i32, i32
  }
  func.func @transform_7(%arg0: i32) -> (i32, i32) {
    %c0_i32 = arith.constant 0 : i32
    %c0_i32_0 = arith.constant 0 : i32
    %c0_i32_1 = arith.constant 0 : i32
    return %c0_i32, %c0_i32_0 : i32, i32
  }
}

</mosaic_0001>

<sc_bundles>
// kernel: kernel.12.cloned.1.call-start
scs
__scs_entry_jumppad:
0x0: {  	(pc) =	sbr.rel $0x88, $3  }
0x1: {  	(tag) =	ssettag $0x0;
	lr =	simm.s32 $0x1  }
0x2: {  	[smem:$0x3F99] =	sst lr;
	_ =	strace $0xD0000000  }
0x3: {  	_ = 	snop  }
0x4: {  	_ = 	snop  }
0x5: {  	_ = 	snop  }
0x6: {  	_ = 	snop  }
0x7: {  	_ = 	snop  }
__scs_overlays_trampoline_lowered:
0x8: {  	[smem:$0x3FA8] =	sst s0  }
0x9: {  	[smem:$0x3FA9] =	sst s1  }
0xa: {  	[smem:$0x3FAA] =	sst s2  }
0xb: {  	[smem:$0x3FAB] =	sst s3  }
0xc: {  	[smem:$0x3FAC] =	sst s4  }
0xd: {  	[smem:$0x3FAD] =	sst s5  }
0xe: {  	[smem:$0x3FAE] =	sst s6  }
0xf: {  	[smem:$0x3FAF] =	sst s7  }
0x10: {  	[smem:$0x3FB0] =	sst s8  }
0x11: {  	[smem:$0x3FB1] =	sst s9;
	s0 =	simm.s32 @!p0 $0x0  }
0x12: {  	s1 =	sld [smem:$0x3F97];
	s0 =	simm.s32 @p0 $0x1  }
0x13: {  	[smem:$0x3FB2] =	sst s0;
	s0 =	simm.s32 @!p1 $0x0  }
0x14: {  	s2 =	sld [smem:$0x3F96];
	s0 =	simm.s32 @p1 $0x1  }
0x15: {  	[smem:$0x3FB3] =	sst s0;
	s0 =	simm.s32 @!p2 $0x0  }
0x16: {  	s3 =	sld [smem:$0x3FDB];
	s0 =	simm.s32 @p2 $0x1  }
0x17: {  	s4 =	simm.s32 $0x1BF5;
	[smem:$0x3FB5] =	sst s0  }
0x18: {  	s0 =	sld [smem:$0x3F98];
	_ =	swait.ge [sflag:s4], $0x0  }
0x19: {  	s7 =	sld [smem:$0x3F99]  }
0x1a: {  	s8 =	sadd.s32 $0xFFFFE003, lr  }
0x1b: {  	s9 =	sadd.s32 $0xFFFFFEF7, lr;
	s5 =	simm.s32 $0xFFFFFFFF;
	p2 =	slt.u32 s8, $0xFFFFF086  }
0x1c: {  	p1 =	slt.u32 s9, $0xF7A;
	s5 =	simm.s32 @!p2 $0x0  }
0x1d: {  	s5 =	simm.s32 @p1 $0x1;
	p0 =	seq.s32 s7, s2  }
0x1e: {  	s7 =	smul.u32 @!p0 $0xF7A, s2;
	p2 =	seq.s32 @!p0 s5, $0x0  }
0x1f: {  	s9 =	smul.u32 $0xF7A, s1;
	s8 =	simm.s32 @!p0 $0x1BF5;
	p2 =	por !p2, p0  }
0x20: {  	[sflag:s8] =	ssyncset.s32 @!p0 $0xFFFFF086;
	s6 =	sadd.s32 @!p0 s3, s7;
	s7 =	simm.s32 @!p0 $0x108  }
0x21: {  	s3 =	sadd.s32 s3, s9;
	s6 =	sadd.s32 @!p0 $0x88, s6;
	s7 =	simm.s32 @p2 $0x1082  }
0x22: {  	[simem:s7], [sflag:s8] =	dma.local @!p0 [hbm:s6], $0xF7A  }
0x23: {  	s9 =	sor.u32 $0xD0000000, s2;
	s6 =	simm.s32 $0x108;
	_ =	swait.ge @!p0 [sflag:s8], $0x0  }
0x24: {  	s3 =	sadd.s32 $0x88, s3;
	s6 =	simm.s32 @!p1 $0x1082;
	[sflag:s4] =	ssyncset.s32 $0xFFFFF086  }
0x25: {  	[simem:s6], [sflag:s4] =	dma.local [hbm:s3], $0xF7A  }
0x26: {  	[smem:$0x3F99] =	sst s1;
	(tag) =	ssettag s2;
	_ =	strace s9  }
0x27: {  	s1 =	sld [smem:$0x3FA9]  }
0x28: {  	s2 =	sld [smem:$0x3FAA]  }
0x29: {  	s4 =	sld [smem:$0x3FAC]  }
0x2a: {  	p0 =	seq.s32 s5, $0x0;
	s5 =	sld [smem:$0x3FAD]  }
0x2b: {  	s6 =	sld [smem:$0x3FAE]  }
0x2c: {  	s7 =	sld [smem:$0x3FAF]  }
0x2d: {  	s3 =	simm.s32 $0x108;
	s8 =	sld [smem:$0x3FB0]  }
0x2e: {  	s3 =	simm.s32 @!p0 $0x1082;
	s9 =	sld [smem:$0x3FB1]  }
0x2f: {  	lr =	sadd.s32 s0, s3;
	s0 =	sld [smem:$0x3FA8]  }
0x30: {  	s3 =	sld [smem:$0x3FAB]  }
0x31: {  	[smem:$0x3FB4] =	sst s10  }
0x32: {  	s10 =	sld [smem:$0x3FB2];
	_ =	sdelay $0x3  }
0x33: {  	p0 =	seq.s32 s10, $0x1;
	s10 =	sld [smem:$0x3FB4];
	_ =	sdelay $0x3  }
0x34: {  	[smem:$0x3FB4] =	sst s10  }
0x35: {  	s10 =	sld [smem:$0x3FB3];
	_ =	sdelay $0x3  }
0x36: {  	p1 =	seq.s32 s10, $0x1;
	s10 =	sld [smem:$0x3FB4];
	_ =	sdelay $0x3  }
0x37: {  	[smem:$0x3FB4] =	sst s10  }
0x38: {  	s10 =	sld [smem:$0x3FB5]  }
0x39: {  	_ = 	snop;
	(pc) =	sbr.ind lr, $3  }
0x3a: {  	_ = 	snop  }
0x3b: {  	_ = 	snop  }
0x3c: {  	p2 =	seq.s32 s10, $0x1;
	s10 =	sld [smem:$0x3FB4]  }
0x3d: {  	_ =	shalt  }
0x3e: {  	_ =	shalt  }
0x3f: {  	_ =	shalt  }
0x40: {  	_ =	shalt  }
0x41: {  	_ =	shalt  }
0x42: {  	_ =	shalt  }
0x43: {  	_ =	shalt  }
0x44: {  	_ =	shalt  }
0x45: {  	_ =	shalt  }
0x46: {  	_ =	shalt  }
0x47: {  	_ =	shalt  }
0x48: {  	_ =	shalt  }
0x49: {  	_ =	shalt  }
0x4a: {  	_ =	shalt  }
0x4b: {  	_ =	shalt  }
0x4c: {  	_ =	shalt  }
0x4d: {  	_ =	shalt  }
0x4e: {  	_ =	shalt  }
0x4f: {  	_ =	shalt  }
0x50: {  	_ =	shalt  }
0x51: {  	_ =	shalt  }
0x52: {  	_ =	shalt  }
0x53: {  	_ =	shalt  }
0x54: {  	_ =	shalt  }
0x55: {  	_ =	shalt  }
0x56: {  	_ =	shalt  }
0x57: {  	_ =	shalt  }
0x58: {  	_ =	shalt  }
0x59: {  	_ =	shalt  }
0x5a: {  	_ =	shalt  }
0x5b: {  	_ =	shalt  }
0x5c: {  	_ =	shalt  }
0x5d: {  	_ =	shalt  }
0x5e: {  	_ =	shalt  }
0x5f: {  	_ =	shalt  }
0x60: {  	_ =	shalt  }
0x61: {  	_ =	shalt  }
0x62: {  	_ =	shalt  }
0x63: {  	_ =	shalt  }
0x64: {  	_ =	shalt  }
0x65: {  	_ =	shalt  }
0x66: {  	_ =	shalt  }
0x67: {  	_ =	shalt  }
0x68: {  	_ =	shalt  }
0x69: {  	_ =	shalt  }
0x6a: {  	_ =	shalt  }
0x6b: {  	_ =	shalt  }
0x6c: {  	_ =	shalt  }
0x6d: {  	_ =	shalt  }
0x6e: {  	_ =	shalt  }
0x6f: {  	_ =	shalt  }
0x70: {  	_ =	shalt  }
0x71: {  	_ =	shalt  }
0x72: {  	_ =	shalt  }
0x73: {  	_ =	shalt  }
0x74: {  	_ =	shalt  }
0x75: {  	_ =	shalt  }
0x76: {  	_ =	shalt  }
0x77: {  	_ =	shalt  }
0x78: {  	_ =	shalt  }
0x79: {  	_ =	shalt  }
0x7a: {  	_ =	shalt  }
0x7b: {  	_ =	shalt  }
0x7c: {  	_ =	shalt  }
0x7d: {  	_ =	shalt  }
0x7e: {  	_ =	shalt  }
0x7f: {  	_ =	shalt  }
0x80: {  	_ =	shalt  }
0x81: {  	_ =	shalt  }
0x82: {  	_ =	shalt  }
0x83: {  	_ =	shalt  }
0x84: {  	_ =	shalt  }
0x85: {  	_ =	shalt  }
0x86: {  	_ =	shalt  }
0x87: {  	_ =	shalt  }
.Lfunc_end0:
.L_simem_size_0:
called_computation.1_lowered:
.L_overlay_start_0:
0x88: {  	s2 =	sld [smem:$0x3FD9]  }
0x89: {  	s3 =	sld [smem:$0x3FFE];
	_ =	sdelay $0x1  }
0x8a: {  	s1 =	srdreg.scid  }
0x8b: {  	s0 =	sand.u32 $0x1, s1  }
0x8c: {  	s16 =	sshll.u32 s0, $0xA;
	s2 =	sadd.s32 s3, s2  }
0x8d: {  	s2 =	sadd.s32 s2, s16  }
0x8e: {  	[smem:$0x3FC0] =	sst s2  }
0x8f: {  	_ = 	snop  }
0x90: {  	(tm) =	ssettm $0x1  }
0x91: {  	s17 =	sld [smem:$0x3FFB];
	_ =	sdelay $0x3  }
0x92: {  	_ =	strace s17  }
0x93: {  	s2 =	sld [smem:$0x3FFC];
	_ =	sdelay $0x3  }
0x94: {  	_ =	strace s2  }
0x95: {  	s2 =	sld [smem:$0x3FFD];
	_ =	sdelay $0x3  }
0x96: {  	_ =	strace s2  }
0x97: {  	_ =	strace $0x8FFFFFFF  }
0x98: {  	s18 =	sld [smem:$0x3FDB];
	_ =	sdelay $0x1  }
0x99: {  	s19 =	simm.s32 $_scs_section_size  }
0x9a: {  	s4 =	simm.s32 $_size__tile_overlayer_lowered;
	s5 =	simm.s32 $_tile_overlayer_lowered  }
0x9b: {  	s22 =	simm.s32 $0x1BFF;
	s21 =	sshll.u32 s5, $0x1;
	s2 =	sadd.s32 s19, s18  }
0x9c: {  	s6 =	simm.s32 $0x0;
	s20 =	sshll.u32 s4, $0x1;
	s4 =	sadd.s32 s21, s2  }
0x9d: {  	[timem:s6], [sflag:s22] =	dma.local [hbm:s4], s20  }
0x9e: {  	_ =	swait.ge [sflag:s22], s20  }
0x9f: {  	s3 =	ssub.s32 $0x0, s20;
	[sflag:s22] =	ssyncset.done $0x0  }
0xa0: {  	[sflag:s22] =	ssyncadd.s32 s3;
	_ =	sdelay $0x1  }
0xa1: {  	s23 =	simm.s32 $0x1B8B  }
0xa2: {  	_ =	swait.ge [sflag:s23], $0x1  }
0xa3: {  	[sflag:s23] =	ssyncset.done $0x0  }
0xa4: {  	s25 =	simm.s32 $0x1B8E;
	s24 =	sld [smem:$0x3FFE];
	[sflag:s23] =	ssyncadd.s32 $0xFFFFFFFF  }
0xa5: {  	s26 =	simm.s32 $execute0_lowered;
	[smem:$0x3FD2] =	sst s25  }
0xa6: {  	s4 =	sshll.u32 s26, $0x1;
	_ =	strace $0x80000049;
	[dreg:$0x1] =	wrdreg $0xFFFFFFFF  }
0xa7: {  	s28 =	simm.s32 $_size_execute0_lowered;
	s2 =	sadd.s32 s2, s4;
	[dreg:$0x0] =	wrdreg $0x0  }
0xa8: {  	s4 =	sshll.u32 s28, $0x1;
	[dreg:$0x2] =	wrdreg s2  }
0xa9: {  	[dreg:$0x3] =	wrdreg s4  }
0xaa: {  	[dreg:$0x4] =	wrdreg $0xC0  }
0xab: {  	_ =	task [dreg:s6], $0x5FFFF  }
0xac: {  	[dreg:$0x1] =	wrdreg $0xFFFFFFFF  }
0xad: {  	[dreg:$0x0] =	wrdreg $0x60  }
0xae: {  	[dreg:$0x2] =	wrdreg s24  }
0xaf: {  	[dreg:$0x3] =	wrdreg $0x8F000  }
0xb0: {  	[dreg:$0x4] =	wrdreg $0x9  }
0xb1: {  	_ =	task.clear_ibuf [dreg:s6], $0x5FFFF;
	_ =	strace $0x90000049  }
0xb2: {  	s29 =	simm.s32 $0x9;
	_ =	strace $0x8000004B  }
0xb3: {  	_ =	swait.ge [sflag:s29], $0x1  }
0xb4: {  	[sflag:s29] =	ssyncadd.s32 $0xFFFFFFFF  }
0xb5: {  	_ =	strace $0x9000004B  }
0xb6: {  	_ =	sfence  }
0xb7: {  	s30 =	sld [smem:$0x0];
	_ =	sdelay $0x2  }
0xb8: {  	s31 =	sshll.u32 s1, $0xD;
	s1 =	sshrl.u32 s1, $0x2  }
0xb9: {  	s3 =	sand.u32 $0x4000, s31;
	s1 =	sadd.s32 s1, s30  }
0xba: {  	s0 =	sor.u32 s3, s0;
	s1 =	sshll.u32 s1, $0x11  }
0xbb: {  	s0 =	sor.u32 s1, s0  }
0xbc: {  	s0 =	sadd.s32 $0x8F2B, s0  }
0xbd: {  	[sflag:s0] =	ssyncadd.remote.s32 $0x1  }
0xbe: {  	_ =	sfence.sel $0xFFFF  }
0xbf: {  	[dreg:$0x0] =	wrdreg $0xFFFFFFFF;
	(pc) =	sbr.abs _section_cstart, $3  }
0xc0: {  	[dreg:$0x1] =	wrdreg $0xFFFFFFFF  }
0xc1: {  	_ =	task.clear_ibuf [dreg:s6], $0x2FFFF;
	_ =	strace $0x9FFFFFFF  }
0xc2: {  	(tm) =	ssettm $0x7FFFFFFF  }
0xc3: {  	_ =	shalt  }
tec
execute0_lowered:
.L_overlay_start_1:
0x0: {  	(tag) =	ssettag $0x1  }
0x1: {  	s0 =	srdreg.scid;
	s6 =	rddreg [dreg:$0x0]  }
0x2: {  	s2 =	rddreg [dreg:$0x1];
	s3 =	simm.s32 $0x0;
	s14 =	simm.s32 $0x80  }
0x3: {  	s15 =	simm.s32 $0x4F00;
	s5 =	sand.u32 $0x1, s0;
	s0 =	stileid.u32  }
0x4: {  	s16 =	simm.s32 $0x0;
	[smem:$0x7FF] =	sst s3;
	s7 =	smul.u32 $0x14000, s0  }
0x5: {  	s1 =	sshll.u32 s5, $0x4;
	s8 =	smul.u32 $0x140000, s5;
	s5 =	ssub.s32 $0x2, s5  }
0x6: {  	s12 =	sshll.u32 s0, $0x6;
	s1 =	sor.u32 s0, s1;
	s31 =	sshrl.u32 s5, $0x1  }
0x7: {  	s12 =	sor.u32 $0x1C01, s12;
	s4 =	smul.u32 $0x4F0, s1;
	s1 =	rddreg [dreg:$0x2]  }
0x8: {  	_ =	strace $0x8000004A;
	s8 =	sadd.s32 s7, s8;
	s10 =	sshrl.u32 s7, $0x3  }
0x9: {  	s11 =	ssub.s32 s5, s31;
	s13 =	sadd.s32 s7, s2;
	s8 =	sshrl.u32 s8, $0x3  }
0xa: {  	s10 =	sadd.s32 s10, s6;
	s13 =	sshrl.u32 s13, $0x3;
	s9 =	sadd.s32 s4, s6  }
0xb: {  	s4 =	sadd.s32 $0x25C00, s6;
	s8 =	sadd.s32 s8, s6;
	s7 =	sadd.s32 $0x75C00, s10  }
0xc: {  	s10 =	simm.s32 $0x1;
	s5 =	sadd.s32 $0x1BE00, s9;
	s6 =	sadd.s32 $0x3000, s9  }
0xd: {  	s8 =	sadd.s32 $0x9DC00, s8;
	s9 =	smax.u32 s11, $0x1;
	s11 =	simm.s32 $0x2780  }
.LBB2_1:
0xe: {  	[tilespmem:s3], [sflag:$0x1] =	stream.linear.gather [hbm4b:s5+s3], $0x2780, $0x38;
	[tilespmem:$0x1CF00] =	vst v63  }
0xf: {  	_ =	swait.ge [sflag:s10], $0x2780  }
0x10: {  	[sflag:s10] =	ssyncset.done $0x0  }
0x11: {  	[sflag:s10] =	ssyncadd.s32 $0xFFFFD880  }
0x12: {  	[tilespmem:s11], [sflag:$0x1] =	stream.linear.gather [hbm4b:s6+s3], $0x2780, $0x38;
	[tilespmem:$0x1CF00] =	vst v63  }
0x13: {  	_ =	swait.ge [sflag:s10], $0x2780  }
0x14: {  	[sflag:s10] =	ssyncset.done $0x0  }
0x15: {  	[sflag:s10] =	ssyncadd.s32 $0xFFFFD880  }
0x16: {  	[spmem:s13], [sflag:s12] =	dma.local [hbm:s7], $0x2800  }
0x17: {  	_ =	swait.ge [sflag:s10], $0x2800  }
0x18: {  	[sflag:s10] =	ssyncset.done $0x0  }
0x19: {  	[sflag:s10] =	ssyncadd.s32 $0xFFFFD800  }
0x1a: {  	s17 =	simm.s32 $0x0;
	[bflag:$0x0] =	sbarrier.arrive $0xFFFF  }
0x1b: {  	[tilespmem:s15], [sflag:$0x1] =	stream.indirect.gather [hbm4b:s4+s14], $0x80, s17, s14, $0xb8;
	[tilespmem:$0x1CF00] =	vst v63  }
0x1c: {  	_ =	swait.ge [sflag:s10], $0x4000  }
0x1d: {  	[sflag:s10] =	ssyncset.done $0x0  }
0x1e: {  	s31 =	simm.s32 $0x2780;
	[sflag:s10] =	ssyncadd.s32 $0xFFFFC000  }
0x1f: {  	[spmem:s2] =	stream.indirect.scatter.add.f32 [tilespmem:s15], [sflag:$0x1], $0x80, s31, s14, $0xb8;
	[tilespmem:$0x1CF00] =	vst v63  }
0x20: {  	_ =	swait.ge [sflag:s10], $0x4000  }
0x21: {  	s18 =	simm.s32 $0x400;
	s17 =	simm.s32 $0x200;
	[sflag:s10] =	ssyncset.done $0x0  }
.LBB2_2:
0x22: {  	s19 =	sshra.s32 s17, $0x2  }
0x23: {  	[sflag:s10] =	ssyncadd.s32 $0xFFFFC000;
	s17 =	smov.u32 s18;
	s20 =	sadd.s32 $0x200, s18  }
0x24: {  	[tilespmem:s15], [sflag:$0x1] =	stream.indirect.gather [hbm4b:s4+s14], $0x80, s19, s14, $0xb8;
	[tilespmem:$0x1CF00] =	vst v63  }
0x25: {  	p0 =	sne.s32 s18, $0x9C00;
	_ =	swait.ge [sflag:s10], $0x4000  }
.Ltmp0:
0x26: {  	[sflag:s10] =	ssyncset.done $0x0;
	(pc) =	sbr.rel @p0 .LBB2_2-.Ltmp0, $4  }
0x27: {  	s18 =	sadd.s32 $0x2780, s19;
	[sflag:s10] =	ssyncadd.s32 $0xFFFFC000  }
0x28: {  	[spmem:s2] =	stream.indirect.scatter.add.f32 [tilespmem:s15], [sflag:$0x1], $0x80, s18, s14, $0xb8;
	[tilespmem:$0x1CF00] =	vst v63  }
0x29: {  	_ =	swait.ge [sflag:s10], $0x4000  }
0x2a: {  	s18 =	smov.u32 s20;
	[sflag:s10] =	ssyncset.done $0x0  }
0x2b: {  	s17 =	sshra.s32 s17, $0x2;
	[sflag:s10] =	ssyncadd.s32 $0xFFFFC000  }
0x2c: {  	[tilespmem:s15], [sflag:$0x1] =	stream.indirect.gather [hbm4b:s4+s14], $0x80, s17, s14, $0xb8;
	[tilespmem:$0x1CF00] =	vst v63  }
0x2d: {  	_ =	swait.ge [sflag:s10], $0x4000  }
0x2e: {  	[sflag:s10] =	ssyncset.done $0x0  }
0x2f: {  	s17 =	sadd.s32 $0x2780, s17;
	[sflag:s10] =	ssyncadd.s32 $0xFFFFC000  }
0x30: {  	[spmem:s2] =	stream.indirect.scatter.add.f32 [tilespmem:s15], [sflag:$0x1], $0x80, s17, s14, $0xb8;
	[tilespmem:$0x1CF00] =	vst v63  }
0x31: {  	_ =	swait.ge [sflag:s10], $0x4000  }
0x32: {  	s16 =	sadd.s32 $0x1, s16;
	[sflag:s10] =	ssyncset.done $0x0  }
0x33: {  	p0 =	sne.s32 s16, s9;
	[sflag:s10] =	ssyncadd.s32 $0xFFFFC000  }
.Ltmp1:
0x34: {  	[bflag:$0x0] =	sbarrier.arrive $0xFFFF;
	(pc) =	sbr.rel @p0 .LBB2_1-.Ltmp1, $4  }
0x35: {  	[hbm:s8], [sflag:s12] =	dma.local [spmem:s13], $0x2800  }
0x36: {  	_ =	swait.ge [sflag:s10], $0x2800  }
0x37: {  	[sflag:s10] =	ssyncset.done $0x0  }
0x38: {  	[sflag:s10] =	ssyncadd.s32 $0xFFFFD800  }
0x39: {  	_ =	sfence.sel $0x180000  }
0x3a: {  	[bflag:$0x0] =	sbarrier.arrive $0xFFFF  }
0x3b: {  	p0 =	sne.s32 s0, $0x0;
	_ =	strace $0x9000004A  }
0x3c: {  	s0 =	sadd.s32 @!p0 $0x100000, s1;
	[bflag:$0x2] =	sbarrier.arrive $0xFFFF  }
0x3d: {  	[sflag:s0] =	ssyncadd.tile.s32 @!p0 $0x1;
	_ =	shalt  }
.Lfunc_end2:
_tile_overlayer_lowered:
.L_overlay_start_2:
0x3e: {  	(tag) =	ssettag $0x2  }
0x3f: {  	s0 =	rddreg [dreg:$0x0];
	s2 =	stileid.u32  }
0x40: {  	s1 =	rddreg [dreg:$0x1];
	p0 =	sne.s32 s2, $0x0  }
0x41: {  	s3 =	rddreg [dreg:$0x2];
	[bflag:$0x3] =	sbarrier.arrive $0xFFFF;
	s2 =	simm.s32 @!p0 $0x1C01  }
0x42: {  	[timem:s3], [sflag:s2] =	dma.local @!p0 [hbm:s0], s1  }
0x43: {  	s0 =	simm.s32 @!p0 $0x1  }
0x44: {  	_ =	swait.ge @!p0 [sflag:s0], s1  }
0x45: {  	s1 =	ssub.s32 @!p0 $0x0, s1;
	[sflag:s0] =	ssyncset.done @!p0 $0x0  }
0x46: {  	[sflag:s0] =	ssyncadd.s32 @!p0 s1  }
0x47: {  	[bflag:$0x3] =	sbarrier.arrive $0xFFFF  }
0x48: {  	_ =	shalt  }

// kernel: kernel.15.cloned.1.call-start
scs
__scs_entry_jumppad:
0x0: {  	(pc) =	sbr.rel $0x88, $3  }
0x1: {  	(tag) =	ssettag $0x0;
	lr =	simm.s32 $0x1  }
0x2: {  	[smem:$0x3F99] =	sst lr;
	_ =	strace $0xD0000000  }
0x3: {  	_ = 	snop  }
0x4: {  	_ = 	snop  }
0x5: {  	_ = 	snop  }
0x6: {  	_ = 	snop  }
0x7: {  	_ = 	snop  }
__scs_overlays_trampoline_lowered:
0x8: {  	[smem:$0x3FA8] =	sst s0  }
0x9: {  	[smem:$0x3FA9] =	sst s1  }
0xa: {  	[smem:$0x3FAA] =	sst s2  }
0xb: {  	[smem:$0x3FAB] =	sst s3  }
0xc: {  	[smem:$0x3FAC] =	sst s4  }
0xd: {  	[smem:$0x3FAD] =	sst s5  }
0xe: {  	[smem:$0x3FAE] =	sst s6  }
0xf: {  	[smem:$0x3FAF] =	sst s7  }
0x10: {  	[smem:$0x3FB0] =	sst s8  }
0x11: {  	[smem:$0x3FB1] =	sst s9;
	s0 =	simm.s32 @!p0 $0x0  }
0x12: {  	s1 =	sld [smem:$0x3F97];
	s0 =	simm.s32 @p0 $0x1  }
0x13: {  	[smem:$0x3FB2] =	sst s0;
	s0 =	simm.s32 @!p1 $0x0  }
0x14: {  	s2 =	sld [smem:$0x3F96];
	s0 =	simm.s32 @p1 $0x1  }
0x15: {  	[smem:$0x3FB3] =	sst s0;
	s0 =	simm.s32 @!p2 $0x0  }
0x16: {  	s3 =	sld [smem:$0x3FDB];
	s0 =	simm.s32 @p2 $0x1  }
0x17: {  	s4 =	simm.s32 $0x1BF5;
	[smem:$0x3FB5] =	sst s0  }
0x18: {  	s0 =	sld [smem:$0x3F98];
	_ =	swait.ge [sflag:s4], $0x0  }
0x19: {  	s7 =	sld [smem:$0x3F99]  }
0x1a: {  	s8 =	sadd.s32 $0xFFFFE003, lr  }
0x1b: {  	s9 =	sadd.s32 $0xFFFFFEF7, lr;
	s5 =	simm.s32 $0xFFFFFFFF;
	p2 =	slt.u32 s8, $0xFFFFF086  }
0x1c: {  	p1 =	slt.u32 s9, $0xF7A;
	s5 =	simm.s32 @!p2 $0x0  }
0x1d: {  	s5 =	simm.s32 @p1 $0x1;
	p0 =	seq.s32 s7, s2  }
0x1e: {  	s7 =	smul.u32 @!p0 $0xF7A, s2;
	p2 =	seq.s32 @!p0 s5, $0x0  }
0x1f: {  	s9 =	smul.u32 $0xF7A, s1;
	s8 =	simm.s32 @!p0 $0x1BF5;
	p2 =	por !p2, p0  }
0x20: {  	[sflag:s8] =	ssyncset.s32 @!p0 $0xFFFFF086;
	s6 =	sadd.s32 @!p0 s3, s7;
	s7 =	simm.s32 @!p0 $0x108  }
0x21: {  	s3 =	sadd.s32 s3, s9;
	s6 =	sadd.s32 @!p0 $0x88, s6;
	s7 =	simm.s32 @p2 $0x1082  }
0x22: {  	[simem:s7], [sflag:s8] =	dma.local @!p0 [hbm:s6], $0xF7A  }
0x23: {  	s9 =	sor.u32 $0xD0000000, s2;
	s6 =	simm.s32 $0x108;
	_ =	swait.ge @!p0 [sflag:s8], $0x0  }
0x24: {  	s3 =	sadd.s32 $0x88, s3;
	s6 =	simm.s32 @!p1 $0x1082;
	[sflag:s4] =	ssyncset.s32 $0xFFFFF086  }
0x25: {  	[simem:s6], [sflag:s4] =	dma.local [hbm:s3], $0xF7A  }
0x26: {  	[smem:$0x3F99] =	sst s1;
	(tag) =	ssettag s2;
	_ =	strace s9  }
0x27: {  	s1 =	sld [smem:$0x3FA9]  }
0x28: {  	s2 =	sld [smem:$0x3FAA]  }
0x29: {  	s4 =	sld [smem:$0x3FAC]  }
0x2a: {  	p0 =	seq.s32 s5, $0x0;
	s5 =	sld [smem:$0x3FAD]  }
0x2b: {  	s6 =	sld [smem:$0x3FAE]  }
0x2c: {  	s7 =	sld [smem:$0x3FAF]  }
0x2d: {  	s3 =	simm.s32 $0x108;
	s8 =	sld [smem:$0x3FB0]  }
0x2e: {  	s3 =	simm.s32 @!p0 $0x1082;
	s9 =	sld [smem:$0x3FB1]  }
0x2f: {  	lr =	sadd.s32 s0, s3;
	s0 =	sld [smem:$0x3FA8]  }
0x30: {  	s3 =	sld [smem:$0x3FAB]  }
0x31: {  	[smem:$0x3FB4] =	sst s10  }
0x32: {  	s10 =	sld [smem:$0x3FB2];
	_ =	sdelay $0x3  }
0x33: {  	p0 =	seq.s32 s10, $0x1;
	s10 =	sld [smem:$0x3FB4];
	_ =	sdelay $0x3  }
0x34: {  	[smem:$0x3FB4] =	sst s10  }
0x35: {  	s10 =	sld [smem:$0x3FB3];
	_ =	sdelay $0x3  }
0x36: {  	p1 =	seq.s32 s10, $0x1;
	s10 =	sld [smem:$0x3FB4];
	_ =	sdelay $0x3  }
0x37: {  	[smem:$0x3FB4] =	sst s10  }
0x38: {  	s10 =	sld [smem:$0x3FB5]  }
0x39: {  	_ = 	snop;
	(pc) =	sbr.ind lr, $3  }
0x3a: {  	_ = 	snop  }
0x3b: {  	_ = 	snop  }
0x3c: {  	p2 =	seq.s32 s10, $0x1;
	s10 =	sld [smem:$0x3FB4]  }
0x3d: {  	_ =	shalt  }
0x3e: {  	_ =	shalt  }
0x3f: {  	_ =	shalt  }
0x40: {  	_ =	shalt  }
0x41: {  	_ =	shalt  }
0x42: {  	_ =	shalt  }
0x43: {  	_ =	shalt  }
0x44: {  	_ =	shalt  }
0x45: {  	_ =	shalt  }
0x46: {  	_ =	shalt  }
0x47: {  	_ =	shalt  }
0x48: {  	_ =	shalt  }
0x49: {  	_ =	shalt  }
0x4a: {  	_ =	shalt  }
0x4b: {  	_ =	shalt  }
0x4c: {  	_ =	shalt  }
0x4d: {  	_ =	shalt  }
0x4e: {  	_ =	shalt  }
0x4f: {  	_ =	shalt  }
0x50: {  	_ =	shalt  }
0x51: {  	_ =	shalt  }
0x52: {  	_ =	shalt  }
0x53: {  	_ =	shalt  }
0x54: {  	_ =	shalt  }
0x55: {  	_ =	shalt  }
0x56: {  	_ =	shalt  }
0x57: {  	_ =	shalt  }
0x58: {  	_ =	shalt  }
0x59: {  	_ =	shalt  }
0x5a: {  	_ =	shalt  }
0x5b: {  	_ =	shalt  }
0x5c: {  	_ =	shalt  }
0x5d: {  	_ =	shalt  }
0x5e: {  	_ =	shalt  }
0x5f: {  	_ =	shalt  }
0x60: {  	_ =	shalt  }
0x61: {  	_ =	shalt  }
0x62: {  	_ =	shalt  }
0x63: {  	_ =	shalt  }
0x64: {  	_ =	shalt  }
0x65: {  	_ =	shalt  }
0x66: {  	_ =	shalt  }
0x67: {  	_ =	shalt  }
0x68: {  	_ =	shalt  }
0x69: {  	_ =	shalt  }
0x6a: {  	_ =	shalt  }
0x6b: {  	_ =	shalt  }
0x6c: {  	_ =	shalt  }
0x6d: {  	_ =	shalt  }
0x6e: {  	_ =	shalt  }
0x6f: {  	_ =	shalt  }
0x70: {  	_ =	shalt  }
0x71: {  	_ =	shalt  }
0x72: {  	_ =	shalt  }
0x73: {  	_ =	shalt  }
0x74: {  	_ =	shalt  }
0x75: {  	_ =	shalt  }
0x76: {  	_ =	shalt  }
0x77: {  	_ =	shalt  }
0x78: {  	_ =	shalt  }
0x79: {  	_ =	shalt  }
0x7a: {  	_ =	shalt  }
0x7b: {  	_ =	shalt  }
0x7c: {  	_ =	shalt  }
0x7d: {  	_ =	shalt  }
0x7e: {  	_ =	shalt  }
0x7f: {  	_ =	shalt  }
0x80: {  	_ =	shalt  }
0x81: {  	_ =	shalt  }
0x82: {  	_ =	shalt  }
0x83: {  	_ =	shalt  }
0x84: {  	_ =	shalt  }
0x85: {  	_ =	shalt  }
0x86: {  	_ =	shalt  }
0x87: {  	_ =	shalt  }
.Lfunc_end0:
.L_simem_size_0:
called_computation.2_lowered:
.L_overlay_start_0:
0x88: {  	s2 =	sld [smem:$0x3FD9]  }
0x89: {  	s3 =	sld [smem:$0x3FFE];
	_ =	sdelay $0x1  }
0x8a: {  	s1 =	srdreg.scid  }
0x8b: {  	s0 =	sand.u32 $0x1, s1  }
0x8c: {  	s16 =	sshll.u32 s0, $0xA;
	s2 =	sadd.s32 s3, s2  }
0x8d: {  	s2 =	sadd.s32 s2, s16  }
0x8e: {  	[smem:$0x3FC0] =	sst s2  }
0x8f: {  	_ = 	snop  }
0x90: {  	(tm) =	ssettm $0x1  }
0x91: {  	s17 =	sld [smem:$0x3FFB];
	_ =	sdelay $0x3  }
0x92: {  	_ =	strace s17  }
0x93: {  	s2 =	sld [smem:$0x3FFC];
	_ =	sdelay $0x3  }
0x94: {  	_ =	strace s2  }
0x95: {  	s2 =	sld [smem:$0x3FFD];
	_ =	sdelay $0x3  }
0x96: {  	_ =	strace s2  }
0x97: {  	_ =	strace $0x8FFFFFFF  }
0x98: {  	s18 =	sld [smem:$0x3FDB];
	_ =	sdelay $0x1  }
0x99: {  	s19 =	simm.s32 $_scs_section_size  }
0x9a: {  	s4 =	simm.s32 $_size__tile_overlayer_lowered;
	s5 =	simm.s32 $_tile_overlayer_lowered  }
0x9b: {  	s22 =	simm.s32 $0x1BFF;
	s21 =	sshll.u32 s5, $0x1;
	s2 =	sadd.s32 s19, s18  }
0x9c: {  	s6 =	simm.s32 $0x0;
	s20 =	sshll.u32 s4, $0x1;
	s4 =	sadd.s32 s21, s2  }
0x9d: {  	[timem:s6], [sflag:s22] =	dma.local [hbm:s4], s20  }
0x9e: {  	_ =	swait.ge [sflag:s22], s20  }
0x9f: {  	s3 =	ssub.s32 $0x0, s20;
	[sflag:s22] =	ssyncset.done $0x0  }
0xa0: {  	[sflag:s22] =	ssyncadd.s32 s3;
	_ =	sdelay $0x1  }
0xa1: {  	s23 =	simm.s32 $0x1B8B  }
0xa2: {  	_ =	swait.ge [sflag:s23], $0x1  }
0xa3: {  	[sflag:s23] =	ssyncset.done $0x0  }
0xa4: {  	s25 =	simm.s32 $0x1B8E;
	s24 =	sld [smem:$0x3FFE];
	[sflag:s23] =	ssyncadd.s32 $0xFFFFFFFF  }
0xa5: {  	s26 =	simm.s32 $execute0_lowered;
	[smem:$0x3FD2] =	sst s25  }
0xa6: {  	s4 =	sshll.u32 s26, $0x1;
	_ =	strace $0x8000004C;
	[dreg:$0x1] =	wrdreg $0xFFFFFFFF  }
0xa7: {  	s28 =	simm.s32 $_size_execute0_lowered;
	s2 =	sadd.s32 s2, s4;
	[dreg:$0x0] =	wrdreg $0x0  }
0xa8: {  	s4 =	sshll.u32 s28, $0x1;
	[dreg:$0x2] =	wrdreg s2  }
0xa9: {  	[dreg:$0x3] =	wrdreg s4  }
0xaa: {  	[dreg:$0x4] =	wrdreg $0xC0  }
0xab: {  	_ =	task [dreg:s6], $0x5FFFF  }
0xac: {  	[dreg:$0x1] =	wrdreg $0xFFFFFFFF  }
0xad: {  	[dreg:$0x0] =	wrdreg $0x60  }
0xae: {  	[dreg:$0x2] =	wrdreg s24  }
0xaf: {  	[dreg:$0x3] =	wrdreg $0x57000  }
0xb0: {  	[dreg:$0x4] =	wrdreg $0x9  }
0xb1: {  	_ =	task.clear_ibuf [dreg:s6], $0x5FFFF;
	_ =	strace $0x9000004C  }
0xb2: {  	s29 =	simm.s32 $0x9;
	_ =	strace $0x8000004E  }
0xb3: {  	_ =	swait.ge [sflag:s29], $0x1  }
0xb4: {  	[sflag:s29] =	ssyncadd.s32 $0xFFFFFFFF  }
0xb5: {  	_ =	strace $0x9000004E  }
0xb6: {  	_ =	sfence  }
0xb7: {  	s30 =	sld [smem:$0x0];
	_ =	sdelay $0x2  }
0xb8: {  	s31 =	sshll.u32 s1, $0xD;
	s1 =	sshrl.u32 s1, $0x2  }
0xb9: {  	s3 =	sand.u32 $0x4000, s31;
	s1 =	sadd.s32 s1, s30  }
0xba: {  	s0 =	sor.u32 s3, s0;
	s1 =	sshll.u32 s1, $0x11  }
0xbb: {  	s0 =	sor.u32 s1, s0  }
0xbc: {  	s0 =	sadd.s32 $0x8F2B, s0  }
0xbd: {  	[sflag:s0] =	ssyncadd.remote.s32 $0x1  }
0xbe: {  	_ =	sfence.sel $0xFFFF  }
0xbf: {  	[dreg:$0x0] =	wrdreg $0xFFFFFFFF;
	(pc) =	sbr.abs _section_cstart, $3  }
0xc0: {  	[dreg:$0x1] =	wrdreg $0xFFFFFFFF  }
0xc1: {  	_ =	task.clear_ibuf [dreg:s6], $0x2FFFF;
	_ =	strace $0x9FFFFFFF  }
0xc2: {  	(tm) =	ssettm $0x7FFFFFFF  }
0xc3: {  	_ =	shalt  }
tec
execute0_lowered:
.L_overlay_start_1:
0x0: {  	(tag) =	ssettag $0x1  }
0x1: {  	s0 =	srdreg.scid;
	s6 =	rddreg [dreg:$0x0]  }
0x2: {  	s2 =	rddreg [dreg:$0x1];
	s3 =	simm.s32 $0x0;
	s14 =	simm.s32 $0x80  }
0x3: {  	s15 =	simm.s32 $0x4F00;
	s5 =	sand.u32 $0x1, s0;
	s0 =	stileid.u32  }
0x4: {  	s16 =	simm.s32 $0x0;
	[smem:$0x7FF] =	sst s3;
	s7 =	smul.u32 $0x2800, s0  }
0x5: {  	s1 =	sshll.u32 s5, $0x4;
	s8 =	smul.u32 $0x28000, s5;
	s5 =	ssub.s32 $0x2, s5  }
0x6: {  	s12 =	sshll.u32 s0, $0x6;
	s1 =	sor.u32 s0, s1;
	s31 =	sshrl.u32 s5, $0x1  }
0x7: {  	s12 =	sor.u32 $0x1C01, s12;
	s4 =	smul.u32 $0x4F0, s1;
	s1 =	rddreg [dreg:$0x2]  }
0x8: {  	_ =	strace $0x8000004D;
	s8 =	sadd.s32 s7, s8;
	s10 =	sshrl.u32 s7, $0x3  }
0x9: {  	s11 =	ssub.s32 s5, s31;
	s13 =	sadd.s32 s7, s2;
	s8 =	sshrl.u32 s8, $0x3  }
0xa: {  	s10 =	sadd.s32 s10, s6;
	s13 =	sshrl.u32 s13, $0x3;
	s9 =	sadd.s32 s4, s6  }
0xb: {  	s4 =	sadd.s32 $0x11E00, s6;
	s8 =	sadd.s32 s8, s6;
	s7 =	sadd.s32 $0xCE00, s10  }
0xc: {  	s10 =	simm.s32 $0x1;
	s5 =	sadd.s32 $0x1BE00, s9;
	s6 =	sadd.s32 $0x3000, s9  }
0xd: {  	s8 =	sadd.s32 $0x25C00, s8;
	s9 =	smax.u32 s11, $0x1;
	s11 =	simm.s32 $0x2780  }
.LBB2_1:
0xe: {  	[tilespmem:s3], [sflag:$0x1] =	stream.linear.gather [hbm4b:s5+s3], $0x2780, $0x38;
	[tilespmem:$0x7F00] =	vst v63  }
0xf: {  	_ =	swait.ge [sflag:s10], $0x2780  }
0x10: {  	[sflag:s10] =	ssyncset.done $0x0  }
0x11: {  	[sflag:s10] =	ssyncadd.s32 $0xFFFFD880  }
0x12: {  	[tilespmem:s11], [sflag:$0x1] =	stream.linear.gather [hbm4b:s6+s3], $0x2780, $0x38;
	[tilespmem:$0x7F00] =	vst v63  }
0x13: {  	_ =	swait.ge [sflag:s10], $0x2780  }
0x14: {  	[sflag:s10] =	ssyncset.done $0x0  }
0x15: {  	[sflag:s10] =	ssyncadd.s32 $0xFFFFD880  }
0x16: {  	[spmem:s13], [sflag:s12] =	dma.local [hbm:s7], $0x500  }
0x17: {  	_ =	swait.ge [sflag:s10], $0x500  }
0x18: {  	[sflag:s10] =	ssyncset.done $0x0  }
0x19: {  	[sflag:s10] =	ssyncadd.s32 $0xFFFFFB00  }
0x1a: {  	s17 =	simm.s32 $0x0;
	[bflag:$0x0] =	sbarrier.arrive $0xFFFF  }
0x1b: {  	[tilespmem:s15], [sflag:$0x1] =	stream.indirect.gather [hbm4b:s4+s14], $0x10, s17, s14, $0xb8;
	[tilespmem:$0x7F00] =	vst v63  }
0x1c: {  	_ =	swait.ge [sflag:s10], $0x800  }
0x1d: {  	[sflag:s10] =	ssyncset.done $0x0  }
0x1e: {  	s31 =	simm.s32 $0x2780;
	[sflag:s10] =	ssyncadd.s32 $0xFFFFF800  }
0x1f: {  	[spmem:s2] =	stream.indirect.scatter.add.f32 [tilespmem:s15], [sflag:$0x1], $0x10, s31, s14, $0xb8;
	[tilespmem:$0x7F00] =	vst v63  }
0x20: {  	_ =	swait.ge [sflag:s10], $0x800  }
0x21: {  	s18 =	simm.s32 $0x400;
	s17 =	simm.s32 $0x200;
	[sflag:s10] =	ssyncset.done $0x0  }
.LBB2_2:
0x22: {  	s19 =	sshra.s32 s17, $0x2  }
0x23: {  	[sflag:s10] =	ssyncadd.s32 $0xFFFFF800;
	s17 =	smov.u32 s18;
	s20 =	sadd.s32 $0x200, s18  }
0x24: {  	[tilespmem:s15], [sflag:$0x1] =	stream.indirect.gather [hbm4b:s4+s14], $0x10, s19, s14, $0xb8;
	[tilespmem:$0x7F00] =	vst v63  }
0x25: {  	p0 =	sne.s32 s18, $0x9C00;
	_ =	swait.ge [sflag:s10], $0x800  }
.Ltmp0:
0x26: {  	[sflag:s10] =	ssyncset.done $0x0;
	(pc) =	sbr.rel @p0 .LBB2_2-.Ltmp0, $4  }
0x27: {  	s18 =	sadd.s32 $0x2780, s19;
	[sflag:s10] =	ssyncadd.s32 $0xFFFFF800  }
0x28: {  	[spmem:s2] =	stream.indirect.scatter.add.f32 [tilespmem:s15], [sflag:$0x1], $0x10, s18, s14, $0xb8;
	[tilespmem:$0x7F00] =	vst v63  }
0x29: {  	_ =	swait.ge [sflag:s10], $0x800  }
0x2a: {  	s18 =	smov.u32 s20;
	[sflag:s10] =	ssyncset.done $0x0  }
0x2b: {  	s17 =	sshra.s32 s17, $0x2;
	[sflag:s10] =	ssyncadd.s32 $0xFFFFF800  }
0x2c: {  	[tilespmem:s15], [sflag:$0x1] =	stream.indirect.gather [hbm4b:s4+s14], $0x10, s17, s14, $0xb8;
	[tilespmem:$0x7F00] =	vst v63  }
0x2d: {  	_ =	swait.ge [sflag:s10], $0x800  }
0x2e: {  	[sflag:s10] =	ssyncset.done $0x0  }
0x2f: {  	s17 =	sadd.s32 $0x2780, s17;
	[sflag:s10] =	ssyncadd.s32 $0xFFFFF800  }
0x30: {  	[spmem:s2] =	stream.indirect.scatter.add.f32 [tilespmem:s15], [sflag:$0x1], $0x10, s17, s14, $0xb8;
	[tilespmem:$0x7F00] =	vst v63  }
0x31: {  	_ =	swait.ge [sflag:s10], $0x800  }
0x32: {  	s16 =	sadd.s32 $0x1, s16;
	[sflag:s10] =	ssyncset.done $0x0  }
0x33: {  	p0 =	sne.s32 s16, s9;
	[sflag:s10] =	ssyncadd.s32 $0xFFFFF800  }
.Ltmp1:
0x34: {  	[bflag:$0x0] =	sbarrier.arrive $0xFFFF;
	(pc) =	sbr.rel @p0 .LBB2_1-.Ltmp1, $4  }
0x35: {  	[hbm:s8], [sflag:s12] =	dma.local [spmem:s13], $0x500  }
0x36: {  	_ =	swait.ge [sflag:s10], $0x500  }
0x37: {  	[sflag:s10] =	ssyncset.done $0x0  }
0x38: {  	[sflag:s10] =	ssyncadd.s32 $0xFFFFFB00  }
0x39: {  	_ =	sfence.sel $0x180000  }
0x3a: {  	[bflag:$0x0] =	sbarrier.arrive $0xFFFF  }
0x3b: {  	p0 =	sne.s32 s0, $0x0;
	_ =	strace $0x9000004D  }
0x3c: {  	s0 =	sadd.s32 @!p0 $0x100000, s1;
	[bflag:$0x2] =	sbarrier.arrive $0xFFFF  }
0x3d: {  	[sflag:s0] =	ssyncadd.tile.s32 @!p0 $0x1;
	_ =	shalt  }
.Lfunc_end2:
_tile_overlayer_lowered:
.L_overlay_start_2:
0x3e: {  	(tag) =	ssettag $0x2  }
0x3f: {  	s0 =	rddreg [dreg:$0x0];
	s2 =	stileid.u32  }
0x40: {  	s1 =	rddreg [dreg:$0x1];
	p0 =	sne.s32 s2, $0x0  }
0x41: {  	s3 =	rddreg [dreg:$0x2];
	[bflag:$0x3] =	sbarrier.arrive $0xFFFF;
	s2 =	simm.s32 @!p0 $0x1C01  }
0x42: {  	[timem:s3], [sflag:s2] =	dma.local @!p0 [hbm:s0], s1  }
0x43: {  	s0 =	simm.s32 @!p0 $0x1  }
0x44: {  	_ =	swait.ge @!p0 [sflag:s0], s1  }
0x45: {  	s1 =	ssub.s32 @!p0 $0x0, s1;
	[sflag:s0] =	ssyncset.done @!p0 $0x0  }
0x46: {  	[sflag:s0] =	ssyncadd.s32 @!p0 s1  }
0x47: {  	[bflag:$0x3] =	sbarrier.arrive $0xFFFF  }
0x48: {  	_ =	shalt  }

// kernel: kernel.18.cloned.1.call-start
scs
__scs_entry_jumppad:
0x0: {  	(pc) =	sbr.rel $0x88, $3  }
0x1: {  	(tag) =	ssettag $0x0;
	lr =	simm.s32 $0x1  }
0x2: {  	[smem:$0x3F99] =	sst lr;
	_ =	strace $0xD0000000  }
0x3: {  	_ = 	snop  }
0x4: {  	_ = 	snop  }
0x5: {  	_ = 	snop  }
0x6: {  	_ = 	snop  }
0x7: {  	_ = 	snop  }
__scs_overlays_trampoline_lowered:
0x8: {  	[smem:$0x3FA8] =	sst s0  }
0x9: {  	[smem:$0x3FA9] =	sst s1  }
0xa: {  	[smem:$0x3FAA] =	sst s2  }
0xb: {  	[smem:$0x3FAB] =	sst s3  }
0xc: {  	[smem:$0x3FAC] =	sst s4  }
0xd: {  	[smem:$0x3FAD] =	sst s5  }
0xe: {  	[smem:$0x3FAE] =	sst s6  }
0xf: {  	[smem:$0x3FAF] =	sst s7  }
0x10: {  	[smem:$0x3FB0] =	sst s8  }
0x11: {  	[smem:$0x3FB1] =	sst s9;
	s0 =	simm.s32 @!p0 $0x0  }
0x12: {  	s1 =	sld [smem:$0x3F97];
	s0 =	simm.s32 @p0 $0x1  }
0x13: {  	[smem:$0x3FB2] =	sst s0;
	s0 =	simm.s32 @!p1 $0x0  }
0x14: {  	s2 =	sld [smem:$0x3F96];
	s0 =	simm.s32 @p1 $0x1  }
0x15: {  	[smem:$0x3FB3] =	sst s0;
	s0 =	simm.s32 @!p2 $0x0  }
0x16: {  	s3 =	sld [smem:$0x3FDB];
	s0 =	simm.s32 @p2 $0x1  }
0x17: {  	s4 =	simm.s32 $0x1BF5;
	[smem:$0x3FB5] =	sst s0  }
0x18: {  	s0 =	sld [smem:$0x3F98];
	_ =	swait.ge [sflag:s4], $0x0  }
0x19: {  	s7 =	sld [smem:$0x3F99]  }
0x1a: {  	s8 =	sadd.s32 $0xFFFFE003, lr  }
0x1b: {  	s9 =	sadd.s32 $0xFFFFFEF7, lr;
	s5 =	simm.s32 $0xFFFFFFFF;
	p2 =	slt.u32 s8, $0xFFFFF086  }
0x1c: {  	p1 =	slt.u32 s9, $0xF7A;
	s5 =	simm.s32 @!p2 $0x0  }
0x1d: {  	s5 =	simm.s32 @p1 $0x1;
	p0 =	seq.s32 s7, s2  }
0x1e: {  	s7 =	smul.u32 @!p0 $0xF7A, s2;
	p2 =	seq.s32 @!p0 s5, $0x0  }
0x1f: {  	s9 =	smul.u32 $0xF7A, s1;
	s8 =	simm.s32 @!p0 $0x1BF5;
	p2 =	por !p2, p0  }
0x20: {  	[sflag:s8] =	ssyncset.s32 @!p0 $0xFFFFF086;
	s6 =	sadd.s32 @!p0 s3, s7;
	s7 =	simm.s32 @!p0 $0x108  }
0x21: {  	s3 =	sadd.s32 s3, s9;
	s6 =	sadd.s32 @!p0 $0x88, s6;
	s7 =	simm.s32 @p2 $0x1082  }
0x22: {  	[simem:s7], [sflag:s8] =	dma.local @!p0 [hbm:s6], $0xF7A  }
0x23: {  	s9 =	sor.u32 $0xD0000000, s2;
	s6 =	simm.s32 $0x108;
	_ =	swait.ge @!p0 [sflag:s8], $0x0  }
0x24: {  	s3 =	sadd.s32 $0x88, s3;
	s6 =	simm.s32 @!p1 $0x1082;
	[sflag:s4] =	ssyncset.s32 $0xFFFFF086  }
0x25: {  	[simem:s6], [sflag:s4] =	dma.local [hbm:s3], $0xF7A  }
0x26: {  	[smem:$0x3F99] =	sst s1;
	(tag) =	ssettag s2;
	_ =	strace s9  }
0x27: {  	s1 =	sld [smem:$0x3FA9]  }
0x28: {  	s2 =	sld [smem:$0x3FAA]  }
0x29: {  	s4 =	sld [smem:$0x3FAC]  }
0x2a: {  	p0 =	seq.s32 s5, $0x0;
	s5 =	sld [smem:$0x3FAD]  }
0x2b: {  	s6 =	sld [smem:$0x3FAE]  }
0x2c: {  	s7 =	sld [smem:$0x3FAF]  }
0x2d: {  	s3 =	simm.s32 $0x108;
	s8 =	sld [smem:$0x3FB0]  }
0x2e: {  	s3 =	simm.s32 @!p0 $0x1082;
	s9 =	sld [smem:$0x3FB1]  }
0x2f: {  	lr =	sadd.s32 s0, s3;
	s0 =	sld [smem:$0x3FA8]  }
0x30: {  	s3 =	sld [smem:$0x3FAB]  }
0x31: {  	[smem:$0x3FB4] =	sst s10  }
0x32: {  	s10 =	sld [smem:$0x3FB2];
	_ =	sdelay $0x3  }
0x33: {  	p0 =	seq.s32 s10, $0x1;
	s10 =	sld [smem:$0x3FB4];
	_ =	sdelay $0x3  }
0x34: {  	[smem:$0x3FB4] =	sst s10  }
0x35: {  	s10 =	sld [smem:$0x3FB3];
	_ =	sdelay $0x3  }
0x36: {  	p1 =	seq.s32 s10, $0x1;
	s10 =	sld [smem:$0x3FB4];
	_ =	sdelay $0x3  }
0x37: {  	[smem:$0x3FB4] =	sst s10  }
0x38: {  	s10 =	sld [smem:$0x3FB5]  }
0x39: {  	_ = 	snop;
	(pc) =	sbr.ind lr, $3  }
0x3a: {  	_ = 	snop  }
0x3b: {  	_ = 	snop  }
0x3c: {  	p2 =	seq.s32 s10, $0x1;
	s10 =	sld [smem:$0x3FB4]  }
0x3d: {  	_ =	shalt  }
0x3e: {  	_ =	shalt  }
0x3f: {  	_ =	shalt  }
0x40: {  	_ =	shalt  }
0x41: {  	_ =	shalt  }
0x42: {  	_ =	shalt  }
0x43: {  	_ =	shalt  }
0x44: {  	_ =	shalt  }
0x45: {  	_ =	shalt  }
0x46: {  	_ =	shalt  }
0x47: {  	_ =	shalt  }
0x48: {  	_ =	shalt  }
0x49: {  	_ =	shalt  }
0x4a: {  	_ =	shalt  }
0x4b: {  	_ =	shalt  }
0x4c: {  	_ =	shalt  }
0x4d: {  	_ =	shalt  }
0x4e: {  	_ =	shalt  }
0x4f: {  	_ =	shalt  }
0x50: {  	_ =	shalt  }
0x51: {  	_ =	shalt  }
0x52: {  	_ =	shalt  }
0x53: {  	_ =	shalt  }
0x54: {  	_ =	shalt  }
0x55: {  	_ =	shalt  }
0x56: {  	_ =	shalt  }
0x57: {  	_ =	shalt  }
0x58: {  	_ =	shalt  }
0x59: {  	_ =	shalt  }
0x5a: {  	_ =	shalt  }
0x5b: {  	_ =	shalt  }
0x5c: {  	_ =	shalt  }
0x5d: {  	_ =	shalt  }
0x5e: {  	_ =	shalt  }
0x5f: {  	_ =	shalt  }
0x60: {  	_ =	shalt  }
0x61: {  	_ =	shalt  }
0x62: {  	_ =	shalt  }
0x63: {  	_ =	shalt  }
0x64: {  	_ =	shalt  }
0x65: {  	_ =	shalt  }
0x66: {  	_ =	shalt  }
0x67: {  	_ =	shalt  }
0x68: {  	_ =	shalt  }
0x69: {  	_ =	shalt  }
0x6a: {  	_ =	shalt  }
0x6b: {  	_ =	shalt  }
0x6c: {  	_ =	shalt  }
0x6d: {  	_ =	shalt  }
0x6e: {  	_ =	shalt  }
0x6f: {  	_ =	shalt  }
0x70: {  	_ =	shalt  }
0x71: {  	_ =	shalt  }
0x72: {  	_ =	shalt  }
0x73: {  	_ =	shalt  }
0x74: {  	_ =	shalt  }
0x75: {  	_ =	shalt  }
0x76: {  	_ =	shalt  }
0x77: {  	_ =	shalt  }
0x78: {  	_ =	shalt  }
0x79: {  	_ =	shalt  }
0x7a: {  	_ =	shalt  }
0x7b: {  	_ =	shalt  }
0x7c: {  	_ =	shalt  }
0x7d: {  	_ =	shalt  }
0x7e: {  	_ =	shalt  }
0x7f: {  	_ =	shalt  }
0x80: {  	_ =	shalt  }
0x81: {  	_ =	shalt  }
0x82: {  	_ =	shalt  }
0x83: {  	_ =	shalt  }
0x84: {  	_ =	shalt  }
0x85: {  	_ =	shalt  }
0x86: {  	_ =	shalt  }
0x87: {  	_ =	shalt  }
.Lfunc_end0:
.L_simem_size_0:
called_computation.3_lowered:
.L_overlay_start_0:
0x88: {  	s2 =	sld [smem:$0x3FD9]  }
0x89: {  	s3 =	sld [smem:$0x3FFE];
	_ =	sdelay $0x1  }
0x8a: {  	s1 =	srdreg.scid  }
0x8b: {  	s0 =	sand.u32 $0x1, s1  }
0x8c: {  	s14 =	sshll.u32 s0, $0xA;
	s2 =	sadd.s32 s3, s2  }
0x8d: {  	s2 =	sadd.s32 s2, s14  }
0x8e: {  	[smem:$0x3FC0] =	sst s2  }
0x8f: {  	_ = 	snop  }
0x90: {  	s2 =	sld [smem:$0x3FD0];
	_ =	sdelay $0x2  }
0x91: {  	s15 =	simm.s32 $0xA;
	s4 =	simm.s32 $0x10  }
0x92: {  	[smem:s4], [sflag:s15] =	dma.local [hbm:s2], $0x1  }
0x93: {  	_ =	swait.eq [sflag:s15], $0x1  }
0x94: {  	[sflag:s15] =	ssyncset.done $0x0  }
0x95: {  	[sflag:s15] =	ssyncadd.s32 $0xFFFFFFFF  }
0x96: {  	s16 =	sld [smem:$0x11];
	(tm) =	ssettm $0x1  }
0x97: {  	s17 =	sld [smem:$0x3FFB];
	_ =	sdelay $0x3  }
0x98: {  	_ =	strace s17  }
0x99: {  	s3 =	sld [smem:$0x3FFC];
	_ =	sdelay $0x3  }
0x9a: {  	_ =	strace s3  }
0x9b: {  	s3 =	sld [smem:$0x3FFD];
	_ =	sdelay $0x3  }
0x9c: {  	_ =	strace s3  }
0x9d: {  	_ =	strace $0x8FFFFFFF  }
0x9e: {  	s18 =	sld [smem:$0x3FDB];
	_ =	sdelay $0x1  }
0x9f: {  	s19 =	simm.s32 $_scs_section_size  }
0xa0: {  	s5 =	simm.s32 $_size__tile_overlayer_lowered;
	s6 =	simm.s32 $_tile_overlayer_lowered  }
0xa1: {  	s22 =	simm.s32 $0x1BFF;
	s21 =	sshll.u32 s6, $0x1;
	s3 =	sadd.s32 s19, s18  }
0xa2: {  	s7 =	simm.s32 $0x0;
	s20 =	sshll.u32 s5, $0x1;
	s5 =	sadd.s32 s21, s3  }
0xa3: {  	[timem:s7], [sflag:s22] =	dma.local [hbm:s5], s20  }
0xa4: {  	_ =	swait.ge [sflag:s22], s20  }
0xa5: {  	s4 =	ssub.s32 $0x0, s20;
	[sflag:s22] =	ssyncset.done $0x0  }
0xa6: {  	[sflag:s22] =	ssyncadd.s32 s4;
	_ =	sdelay $0x1  }
0xa7: {  	s23 =	simm.s32 $0x1B8B  }
0xa8: {  	_ =	swait.ge [sflag:s23], $0x1  }
0xa9: {  	[sflag:s23] =	ssyncset.done $0x0  }
0xaa: {  	s25 =	simm.s32 $0x1B8E;
	s24 =	sld [smem:$0x3FFE];
	[sflag:s23] =	ssyncadd.s32 $0xFFFFFFFF  }
0xab: {  	s26 =	simm.s32 $execute0_lowered;
	[smem:$0x3FD2] =	sst s25  }
0xac: {  	s5 =	sshll.u32 s26, $0x1;
	_ =	strace $0x8000004F;
	[dreg:$0x1] =	wrdreg $0xFFFFFFFF  }
0xad: {  	s28 =	simm.s32 $_size_execute0_lowered;
	s3 =	sadd.s32 s3, s5;
	[dreg:$0x0] =	wrdreg $0x0  }
0xae: {  	s5 =	sshll.u32 s28, $0x1;
	[dreg:$0x2] =	wrdreg s3  }
0xaf: {  	[dreg:$0x3] =	wrdreg s5  }
0xb0: {  	[dreg:$0x4] =	wrdreg $0xC0  }
0xb1: {  	_ =	task [dreg:s7], $0x5FFFF  }
0xb2: {  	[dreg:$0x1] =	wrdreg $0xFFFFFFFF  }
0xb3: {  	[dreg:$0x0] =	wrdreg $0x60  }
0xb4: {  	[dreg:$0x2] =	wrdreg s24  }
0xb5: {  	[dreg:$0x3] =	wrdreg s16  }
0xb6: {  	[dreg:$0x4] =	wrdreg $0x9  }
0xb7: {  	_ =	task.clear_ibuf [dreg:s7], $0x5FFFF;
	_ =	strace $0x9000004F  }
0xb8: {  	s29 =	simm.s32 $0x9;
	_ =	strace $0x80000051  }
0xb9: {  	_ =	swait.ge [sflag:s29], $0x1  }
0xba: {  	[sflag:s29] =	ssyncadd.s32 $0xFFFFFFFF  }
0xbb: {  	_ =	strace $0x90000051  }
0xbc: {  	_ =	sfence  }
0xbd: {  	s30 =	sld [smem:$0x0];
	_ =	sdelay $0x2  }
0xbe: {  	s31 =	sshll.u32 s1, $0xD;
	s1 =	sshrl.u32 s1, $0x2  }
0xbf: {  	s3 =	sand.u32 $0x4000, s31;
	s1 =	sadd.s32 s1, s30  }
0xc0: {  	s0 =	sor.u32 s3, s0;
	s1 =	sshll.u32 s1, $0x11  }
0xc1: {  	s0 =	sor.u32 s1, s0  }
0xc2: {  	s0 =	sadd.s32 $0x8F2B, s0  }
0xc3: {  	[sflag:s0] =	ssyncadd.remote.s32 $0x1  }
0xc4: {  	_ =	sfence.sel $0xFFFF  }
0xc5: {  	[dreg:$0x0] =	wrdreg $0xFFFFFFFF;
	(pc) =	sbr.abs _section_cstart, $3  }
0xc6: {  	[dreg:$0x1] =	wrdreg $0xFFFFFFFF  }
0xc7: {  	_ =	task.clear_ibuf [dreg:s7], $0x2FFFF;
	_ =	strace $0x9FFFFFFF  }
0xc8: {  	(tm) =	ssettm $0x7FFFFFFF  }
0xc9: {  	_ =	shalt  }
tec
execute0_lowered:
.L_overlay_start_1:
0x0: {  	(tag) =	ssettag $0x1  }
0x1: {  	s1 =	srdreg.scid  }
0x2: {  	s0 =	stileid.u32;
	s18 =	sand.u32 $0x1, s1  }
0x3: {  	s16 =	rddreg [dreg:$0x0];
	s2 =	sshll.u32 s0, $0x6;
	s1 =	sshll.u32 s18, $0xA  }
0x4: {  	s15 =	rddreg [dreg:$0x1];
	s17 =	sor.u32 s2, s1  }
0x5: {  	s1 =	rddreg [dreg:$0x2];
	s2 =	simm.s32 $0x0;
	s3 =	sshrl.u32 s17, $0x3  }
0x6: {  	[smem:$0x7FF] =	sst s2;
	s3 =	sadd.s32 s3, s16  }
0x7: {  	_ =	strace $0x80000050;
	s4 =	sadd.s32 $0x2FC00, s3;
	s3 =	simm.s32 $0x1  }
0x8: {  	[tilespmem:s2], [sflag:$0x1] =	stream.linear.gather [hbm4b:s4+s2], $0x40, $0x38;
	[tilespmem:$0x1440] =	vst v63  }
0x9: {  	_ =	swait.ge [sflag:s3], $0x40  }
0xa: {  	[sflag:s3] =	ssyncset.done $0x0  }
0xb: {  	s6 =	simm.s32 $0x40;
	s5 =	sadd.s32 $0x3000, s16;
	[sflag:s3] =	ssyncadd.s32 $0xFFFFFFC0  }
0xc: {  	[tilespmem:s6], [sflag:$0x1] =	stream.indirect.gather [hbm4b:s5+s6], $0x10, s2, s6, $0xb8;
	[tilespmem:$0x1440] =	vst v63  }
0xd: {  	_ =	swait.ge [sflag:s3], $0x400  }
0xe: {  	[sflag:s3] =	ssyncset.done $0x0  }
0xf: {  	s8 =	simm.s32 $0x440;
	s7 =	sadd.s32 $0x8000, s16;
	[sflag:s3] =	ssyncadd.s32 $0xFFFFFC00  }
0x10: {  	[tilespmem:s8], [sflag:$0x1] =	stream.indirect.gather [hbm4b:s7+s6], $0x10, s2, s6, $0xb8;
	[tilespmem:$0x1440] =	vst v63  }
0x11: {  	_ =	swait.ge [sflag:s3], $0x400  }
0x12: {  	[sflag:s3] =	ssyncset.done $0x0  }
0x13: {  	s10 =	simm.s32 $0x840;
	s9 =	sadd.s32 $0x11E00, s16;
	[sflag:s3] =	ssyncadd.s32 $0xFFFFFC00  }
0x14: {  	[tilespmem:s10], [sflag:$0x1] =	stream.indirect.gather [hbm4b:s9+s6], $0x10, s2, s6, $0xb8;
	[tilespmem:$0x1440] =	vst v63  }
0x15: {  	_ =	swait.ge [sflag:s3], $0x400  }
0x16: {  	[sflag:s3] =	ssyncset.done $0x0  }
0x17: {  	s12 =	simm.s32 $0xC40;
	s11 =	sadd.s32 $0x2FE00, s16;
	[sflag:s3] =	ssyncadd.s32 $0xFFFFFC00  }
0x18: {  	[tilespmem:s12], [sflag:$0x1] =	stream.indirect.gather [hbm4b:s11+s6], $0x10, s2, s6, $0xb8;
	[tilespmem:$0x1440] =	vst v63  }
0x19: {  	_ =	swait.ge [sflag:s3], $0x400  }
0x1a: {  	[sflag:s3] =	ssyncset.done $0x0  }
0x1b: {  	s14 =	simm.s32 $0x1040;
	s13 =	sadd.s32 $0x16E00, s16;
	[sflag:s3] =	ssyncadd.s32 $0xFFFFFC00  }
0x1c: {  	[tilespmem:s14], [sflag:$0x1] =	stream.indirect.gather [hbm4b:s13+s6], $0x10, s2, s6, $0xb8;
	[tilespmem:$0x1440] =	vst v63  }
0x1d: {  	_ =	swait.ge [sflag:s3], $0x400  }
0x1e: {  	s17 =	sshll.u32 s17, $0x1;
	[sflag:s3] =	ssyncset.done $0x0  }
0x1f: {  	s15 =	sadd.s32 s15, s17;
	[sflag:s3] =	ssyncadd.s32 $0xFFFFFC00  }
0x20: {  	[hbm4b:s15+s2] =	stream.linear.scatter [tilespmem:s6], [sflag:$0x1], $0x400, $0x38;
	[tilespmem:$0x1440] =	vst v63  }
0x21: {  	_ =	swait.ge [sflag:s3], $0x400  }
0x22: {  	s19 =	sadd.s32 s17, s16;
	[sflag:s3] =	ssyncset.done $0x0  }
0x23: {  	s16 =	sadd.s32 $0x10000, s19;
	[sflag:s3] =	ssyncadd.s32 $0xFFFFFC00  }
0x24: {  	[hbm4b:s16+s2] =	stream.linear.scatter [tilespmem:s8], [sflag:$0x1], $0x400, $0x38;
	[tilespmem:$0x1440] =	vst v63  }
0x25: {  	_ =	swait.ge [sflag:s3], $0x400  }
0x26: {  	[sflag:s3] =	ssyncset.done $0x0  }
0x27: {  	s20 =	ssub.s32 $0x2, s18;
	s17 =	sadd.s32 $0xF000, s19;
	[sflag:s3] =	ssyncadd.s32 $0xFFFFFC00  }
0x28: {  	[hbm4b:s17+s2] =	stream.linear.scatter [tilespmem:s10], [sflag:$0x1], $0x400, $0x38;
	[tilespmem:$0x1440] =	vst v63  }
0x29: {  	s21 =	sshrl.u32 s20, $0x1;
	_ =	swait.ge [sflag:s3], $0x400  }
0x2a: {  	s20 =	ssub.s32 s20, s21;
	[sflag:s3] =	ssyncset.done $0x0  }
0x2b: {  	s20 =	smax.u32 s20, $0x1;
	s18 =	sadd.s32 $0xE000, s19;
	[sflag:s3] =	ssyncadd.s32 $0xFFFFFC00  }
0x2c: {  	[hbm4b:s18+s2] =	stream.linear.scatter [tilespmem:s12], [sflag:$0x1], $0x400, $0x38;
	[tilespmem:$0x1440] =	vst v63  }
0x2d: {  	p0 =	sne.s32 s20, $0x1;
	_ =	swait.ge [sflag:s3], $0x400  }
.Ltmp0:
0x2e: {  	[sflag:s3] =	ssyncset.done $0x0;
	(pc) =	sbr.rel @!p0 .LBB2_2-.Ltmp0, $4  }
0x2f: {  	s19 =	sadd.s32 $0xD000, s19;
	[sflag:s3] =	ssyncadd.s32 $0xFFFFFC00  }
0x30: {  	[hbm4b:s19+s2] =	stream.linear.scatter [tilespmem:s14], [sflag:$0x1], $0x400, $0x38;
	[tilespmem:$0x1440] =	vst v63  }
0x31: {  	_ =	swait.ge [sflag:s3], $0x400  }
0x32: {  	s20 =	sadd.s32 $0xFFFFFFFF, s20;
	[sflag:s3] =	ssyncset.done $0x0  }
.LBB2_1:
0x33: {  	p0 =	sne.s32 s20, $0x1;
	s20 =	sadd.s32 $0xFFFFFFFF, s20;
	[sflag:s3] =	ssyncadd.s32 $0xFFFFFC00  }
0x34: {  	[tilespmem:s2], [sflag:$0x1] =	stream.linear.gather [hbm4b:s4+s2], $0x40, $0x38;
	[tilespmem:$0x1440] =	vst v63  }
0x35: {  	_ =	swait.ge [sflag:s3], $0x40  }
0x36: {  	[sflag:s3] =	ssyncset.done $0x0  }
0x37: {  	[sflag:s3] =	ssyncadd.s32 $0xFFFFFFC0  }
0x38: {  	[tilespmem:s6], [sflag:$0x1] =	stream.indirect.gather [hbm4b:s5+s6], $0x10, s2, s6, $0xb8;
	[tilespmem:$0x1440] =	vst v63  }
0x39: {  	_ =	swait.ge [sflag:s3], $0x400  }
0x3a: {  	[sflag:s3] =	ssyncset.done $0x0  }
0x3b: {  	[sflag:s3] =	ssyncadd.s32 $0xFFFFFC00  }
0x3c: {  	[tilespmem:s8], [sflag:$0x1] =	stream.indirect.gather [hbm4b:s7+s6], $0x10, s2, s6, $0xb8;
	[tilespmem:$0x1440] =	vst v63  }
0x3d: {  	_ =	swait.ge [sflag:s3], $0x400  }
0x3e: {  	[sflag:s3] =	ssyncset.done $0x0  }
0x3f: {  	[sflag:s3] =	ssyncadd.s32 $0xFFFFFC00  }
0x40: {  	[tilespmem:s10], [sflag:$0x1] =	stream.indirect.gather [hbm4b:s9+s6], $0x10, s2, s6, $0xb8;
	[tilespmem:$0x1440] =	vst v63  }
0x41: {  	_ =	swait.ge [sflag:s3], $0x400  }
0x42: {  	[sflag:s3] =	ssyncset.done $0x0  }
0x43: {  	[sflag:s3] =	ssyncadd.s32 $0xFFFFFC00  }
0x44: {  	[tilespmem:s12], [sflag:$0x1] =	stream.indirect.gather [hbm4b:s11+s6], $0x10, s2, s6, $0xb8;
	[tilespmem:$0x1440] =	vst v63  }
0x45: {  	_ =	swait.ge [sflag:s3], $0x400  }
0x46: {  	[sflag:s3] =	ssyncset.done $0x0  }
0x47: {  	[sflag:s3] =	ssyncadd.s32 $0xFFFFFC00  }
0x48: {  	[tilespmem:s14], [sflag:$0x1] =	stream.indirect.gather [hbm4b:s13+s6], $0x10, s2, s6, $0xb8;
	[tilespmem:$0x1440] =	vst v63  }
0x49: {  	_ =	swait.ge [sflag:s3], $0x400  }
0x4a: {  	[sflag:s3] =	ssyncset.done $0x0  }
0x4b: {  	[sflag:s3] =	ssyncadd.s32 $0xFFFFFC00  }
0x4c: {  	[hbm4b:s15+s2] =	stream.linear.scatter [tilespmem:s6], [sflag:$0x1], $0x400, $0x38;
	[tilespmem:$0x1440] =	vst v63  }
0x4d: {  	_ =	swait.ge [sflag:s3], $0x400  }
0x4e: {  	[sflag:s3] =	ssyncset.done $0x0  }
0x4f: {  	[sflag:s3] =	ssyncadd.s32 $0xFFFFFC00  }
0x50: {  	[hbm4b:s16+s2] =	stream.linear.scatter [tilespmem:s8], [sflag:$0x1], $0x400, $0x38;
	[tilespmem:$0x1440] =	vst v63  }
0x51: {  	_ =	swait.ge [sflag:s3], $0x400  }
0x52: {  	[sflag:s3] =	ssyncset.done $0x0  }
0x53: {  	[sflag:s3] =	ssyncadd.s32 $0xFFFFFC00  }
0x54: {  	[hbm4b:s17+s2] =	stream.linear.scatter [tilespmem:s10], [sflag:$0x1], $0x400, $0x38;
	[tilespmem:$0x1440] =	vst v63  }
0x55: {  	_ =	swait.ge [sflag:s3], $0x400  }
0x56: {  	[sflag:s3] =	ssyncset.done $0x0  }
0x57: {  	[sflag:s3] =	ssyncadd.s32 $0xFFFFFC00  }
0x58: {  	[hbm4b:s18+s2] =	stream.linear.scatter [tilespmem:s12], [sflag:$0x1], $0x400, $0x38;
	[tilespmem:$0x1440] =	vst v63  }
0x59: {  	_ =	swait.ge [sflag:s3], $0x400  }
.Ltmp1:
0x5a: {  	[sflag:s3] =	ssyncset.done $0x0;
	(pc) =	sbr.rel @p0 .LBB2_1-.Ltmp1, $4  }
0x5b: {  	[sflag:s3] =	ssyncadd.s32 $0xFFFFFC00  }
0x5c: {  	[hbm4b:s19+s2] =	stream.linear.scatter [tilespmem:s14], [sflag:$0x1], $0x400, $0x38;
	[tilespmem:$0x1440] =	vst v63  }
0x5d: {  	_ =	swait.ge [sflag:s3], $0x400  }
0x5e: {  	[sflag:s3] =	ssyncset.done $0x0  }
.LBB2_2:
0x5f: {  	[sflag:s3] =	ssyncadd.s32 $0xFFFFFC00  }
0x60: {  	_ =	sfence.sel $0x180000  }
0x61: {  	[bflag:$0x0] =	sbarrier.arrive $0xFFFF  }
0x62: {  	p0 =	sne.s32 s0, $0x0;
	_ =	strace $0x90000050  }
0x63: {  	s0 =	sadd.s32 @!p0 $0x100000, s1;
	[bflag:$0x2] =	sbarrier.arrive $0xFFFF  }
0x64: {  	[sflag:s0] =	ssyncadd.tile.s32 @!p0 $0x1;
	_ =	shalt  }
.Lfunc_end2:
_tile_overlayer_lowered:
.L_overlay_start_2:
0x65: {  	(tag) =	ssettag $0x2  }
0x66: {  	s0 =	rddreg [dreg:$0x0];
	s2 =	stileid.u32  }
0x67: {  	s1 =	rddreg [dreg:$0x1];
	p0 =	sne.s32 s2, $0x0  }
0x68: {  	s3 =	rddreg [dreg:$0x2];
	[bflag:$0x3] =	sbarrier.arrive $0xFFFF;
	s2 =	simm.s32 @!p0 $0x1C01  }
0x69: {  	[timem:s3], [sflag:s2] =	dma.local @!p0 [hbm:s0], s1  }
0x6a: {  	s0 =	simm.s32 @!p0 $0x1  }
0x6b: {  	_ =	swait.ge @!p0 [sflag:s0], s1  }
0x6c: {  	s1 =	ssub.s32 @!p0 $0x0, s1;
	[sflag:s0] =	ssyncset.done @!p0 $0x0  }
0x6d: {  	[sflag:s0] =	ssyncadd.s32 @!p0 s1  }
0x6e: {  	[bflag:$0x3] =	sbarrier.arrive $0xFFFF  }
0x6f: {  	_ =	shalt  }

// kernel: kernel.9.cloned.1.call-start
scs
__scs_entry_jumppad:
0x0: {  	(pc) =	sbr.rel $0x88, $3  }
0x1: {  	(tag) =	ssettag $0x0;
	lr =	simm.s32 $0x1  }
0x2: {  	[smem:$0x3F99] =	sst lr;
	_ =	strace $0xD0000000  }
0x3: {  	_ = 	snop  }
0x4: {  	_ = 	snop  }
0x5: {  	_ = 	snop  }
0x6: {  	_ = 	snop  }
0x7: {  	_ = 	snop  }
__scs_overlays_trampoline_lowered:
0x8: {  	[smem:$0x3FA8] =	sst s0  }
0x9: {  	[smem:$0x3FA9] =	sst s1  }
0xa: {  	[smem:$0x3FAA] =	sst s2  }
0xb: {  	[smem:$0x3FAB] =	sst s3  }
0xc: {  	[smem:$0x3FAC] =	sst s4  }
0xd: {  	[smem:$0x3FAD] =	sst s5  }
0xe: {  	[smem:$0x3FAE] =	sst s6  }
0xf: {  	[smem:$0x3FAF] =	sst s7  }
0x10: {  	[smem:$0x3FB0] =	sst s8  }
0x11: {  	[smem:$0x3FB1] =	sst s9;
	s0 =	simm.s32 @!p0 $0x0  }
0x12: {  	s1 =	sld [smem:$0x3F97];
	s0 =	simm.s32 @p0 $0x1  }
0x13: {  	[smem:$0x3FB2] =	sst s0;
	s0 =	simm.s32 @!p1 $0x0  }
0x14: {  	s2 =	sld [smem:$0x3F96];
	s0 =	simm.s32 @p1 $0x1  }
0x15: {  	[smem:$0x3FB3] =	sst s0;
	s0 =	simm.s32 @!p2 $0x0  }
0x16: {  	s3 =	sld [smem:$0x3FDB];
	s0 =	simm.s32 @p2 $0x1  }
0x17: {  	s4 =	simm.s32 $0x1BF5;
	[smem:$0x3FB5] =	sst s0  }
0x18: {  	s0 =	sld [smem:$0x3F98];
	_ =	swait.ge [sflag:s4], $0x0  }
0x19: {  	s7 =	sld [smem:$0x3F99]  }
0x1a: {  	s8 =	sadd.s32 $0xFFFFE003, lr  }
0x1b: {  	s9 =	sadd.s32 $0xFFFFFEF7, lr;
	s5 =	simm.s32 $0xFFFFFFFF;
	p2 =	slt.u32 s8, $0xFFFFF086  }
0x1c: {  	p1 =	slt.u32 s9, $0xF7A;
	s5 =	simm.s32 @!p2 $0x0  }
0x1d: {  	s5 =	simm.s32 @p1 $0x1;
	p0 =	seq.s32 s7, s2  }
0x1e: {  	s7 =	smul.u32 @!p0 $0xF7A, s2;
	p2 =	seq.s32 @!p0 s5, $0x0  }
0x1f: {  	s9 =	smul.u32 $0xF7A, s1;
	s8 =	simm.s32 @!p0 $0x1BF5;
	p2 =	por !p2, p0  }
0x20: {  	[sflag:s8] =	ssyncset.s32 @!p0 $0xFFFFF086;
	s6 =	sadd.s32 @!p0 s3, s7;
	s7 =	simm.s32 @!p0 $0x108  }
0x21: {  	s3 =	sadd.s32 s3, s9;
	s6 =	sadd.s32 @!p0 $0x88, s6;
	s7 =	simm.s32 @p2 $0x1082  }
0x22: {  	[simem:s7], [sflag:s8] =	dma.local @!p0 [hbm:s6], $0xF7A  }
0x23: {  	s9 =	sor.u32 $0xD0000000, s2;
	s6 =	simm.s32 $0x108;
	_ =	swait.ge @!p0 [sflag:s8], $0x0  }
0x24: {  	s3 =	sadd.s32 $0x88, s3;
	s6 =	simm.s32 @!p1 $0x1082;
	[sflag:s4] =	ssyncset.s32 $0xFFFFF086  }
0x25: {  	[simem:s6], [sflag:s4] =	dma.local [hbm:s3], $0xF7A  }
0x26: {  	[smem:$0x3F99] =	sst s1;
	(tag) =	ssettag s2;
	_ =	strace s9  }
0x27: {  	s1 =	sld [smem:$0x3FA9]  }
0x28: {  	s2 =	sld [smem:$0x3FAA]  }
0x29: {  	s4 =	sld [smem:$0x3FAC]  }
0x2a: {  	p0 =	seq.s32 s5, $0x0;
	s5 =	sld [smem:$0x3FAD]  }
0x2b: {  	s6 =	sld [smem:$0x3FAE]  }
0x2c: {  	s7 =	sld [smem:$0x3FAF]  }
0x2d: {  	s3 =	simm.s32 $0x108;
	s8 =	sld [smem:$0x3FB0]  }
0x2e: {  	s3 =	simm.s32 @!p0 $0x1082;
	s9 =	sld [smem:$0x3FB1]  }
0x2f: {  	lr =	sadd.s32 s0, s3;
	s0 =	sld [smem:$0x3FA8]  }
0x30: {  	s3 =	sld [smem:$0x3FAB]  }
0x31: {  	[smem:$0x3FB4] =	sst s10  }
0x32: {  	s10 =	sld [smem:$0x3FB2];
	_ =	sdelay $0x3  }
0x33: {  	p0 =	seq.s32 s10, $0x1;
	s10 =	sld [smem:$0x3FB4];
	_ =	sdelay $0x3  }
0x34: {  	[smem:$0x3FB4] =	sst s10  }
0x35: {  	s10 =	sld [smem:$0x3FB3];
	_ =	sdelay $0x3  }
0x36: {  	p1 =	seq.s32 s10, $0x1;
	s10 =	sld [smem:$0x3FB4];
	_ =	sdelay $0x3  }
0x37: {  	[smem:$0x3FB4] =	sst s10  }
0x38: {  	s10 =	sld [smem:$0x3FB5]  }
0x39: {  	_ = 	snop;
	(pc) =	sbr.ind lr, $3  }
0x3a: {  	_ = 	snop  }
0x3b: {  	_ = 	snop  }
0x3c: {  	p2 =	seq.s32 s10, $0x1;
	s10 =	sld [smem:$0x3FB4]  }
0x3d: {  	_ =	shalt  }
0x3e: {  	_ =	shalt  }
0x3f: {  	_ =	shalt  }
0x40: {  	_ =	shalt  }
0x41: {  	_ =	shalt  }
0x42: {  	_ =	shalt  }
0x43: {  	_ =	shalt  }
0x44: {  	_ =	shalt  }
0x45: {  	_ =	shalt  }
0x46: {  	_ =	shalt  }
0x47: {  	_ =	shalt  }
0x48: {  	_ =	shalt  }
0x49: {  	_ =	shalt  }
0x4a: {  	_ =	shalt  }
0x4b: {  	_ =	shalt  }
0x4c: {  	_ =	shalt  }
0x4d: {  	_ =	shalt  }
0x4e: {  	_ =	shalt  }
0x4f: {  	_ =	shalt  }
0x50: {  	_ =	shalt  }
0x51: {  	_ =	shalt  }
0x52: {  	_ =	shalt  }
0x53: {  	_ =	shalt  }
0x54: {  	_ =	shalt  }
0x55: {  	_ =	shalt  }
0x56: {  	_ =	shalt  }
0x57: {  	_ =	shalt  }
0x58: {  	_ =	shalt  }
0x59: {  	_ =	shalt  }
0x5a: {  	_ =	shalt  }
0x5b: {  	_ =	shalt  }
0x5c: {  	_ =	shalt  }
0x5d: {  	_ =	shalt  }
0x5e: {  	_ =	shalt  }
0x5f: {  	_ =	shalt  }
0x60: {  	_ =	shalt  }
0x61: {  	_ =	shalt  }
0x62: {  	_ =	shalt  }
0x63: {  	_ =	shalt  }
0x64: {  	_ =	shalt  }
0x65: {  	_ =	shalt  }
0x66: {  	_ =	shalt  }
0x67: {  	_ =	shalt  }
0x68: {  	_ =	shalt  }
0x69: {  	_ =	shalt  }
0x6a: {  	_ =	shalt  }
0x6b: {  	_ =	shalt  }
0x6c: {  	_ =	shalt  }
0x6d: {  	_ =	shalt  }
0x6e: {  	_ =	shalt  }
0x6f: {  	_ =	shalt  }
0x70: {  	_ =	shalt  }
0x71: {  	_ =	shalt  }
0x72: {  	_ =	shalt  }
0x73: {  	_ =	shalt  }
0x74: {  	_ =	shalt  }
0x75: {  	_ =	shalt  }
0x76: {  	_ =	shalt  }
0x77: {  	_ =	shalt  }
0x78: {  	_ =	shalt  }
0x79: {  	_ =	shalt  }
0x7a: {  	_ =	shalt  }
0x7b: {  	_ =	shalt  }
0x7c: {  	_ =	shalt  }
0x7d: {  	_ =	shalt  }
0x7e: {  	_ =	shalt  }
0x7f: {  	_ =	shalt  }
0x80: {  	_ =	shalt  }
0x81: {  	_ =	shalt  }
0x82: {  	_ =	shalt  }
0x83: {  	_ =	shalt  }
0x84: {  	_ =	shalt  }
0x85: {  	_ =	shalt  }
0x86: {  	_ =	shalt  }
0x87: {  	_ =	shalt  }
.Lfunc_end0:
.L_simem_size_0:
called_computation_lowered:
.L_overlay_start_0:
0x88: {  	s2 =	sld [smem:$0x3FD9]  }
0x89: {  	s3 =	sld [smem:$0x3FFE];
	_ =	sdelay $0x1  }
0x8a: {  	s1 =	srdreg.scid  }
0x8b: {  	s0 =	sand.u32 $0x1, s1  }
0x8c: {  	s14 =	sshll.u32 s0, $0xA;
	s2 =	sadd.s32 s3, s2  }
0x8d: {  	s2 =	sadd.s32 s2, s14  }
0x8e: {  	[smem:$0x3FC0] =	sst s2  }
0x8f: {  	_ = 	snop  }
0x90: {  	s2 =	sld [smem:$0x3FD0];
	_ =	sdelay $0x2  }
0x91: {  	s15 =	simm.s32 $0xA;
	s4 =	simm.s32 $0x10  }
0x92: {  	[smem:s4], [sflag:s15] =	dma.local [hbm:s2], $0x1  }
0x93: {  	_ =	swait.eq [sflag:s15], $0x1  }
0x94: {  	[sflag:s15] =	ssyncset.done $0x0  }
0x95: {  	[sflag:s15] =	ssyncadd.s32 $0xFFFFFFFF  }
0x96: {  	s16 =	sld [smem:$0x11];
	(tm) =	ssettm $0x1  }
0x97: {  	s17 =	sld [smem:$0x3FFB];
	_ =	sdelay $0x3  }
0x98: {  	_ =	strace s17  }
0x99: {  	s3 =	sld [smem:$0x3FFC];
	_ =	sdelay $0x3  }
0x9a: {  	_ =	strace s3  }
0x9b: {  	s3 =	sld [smem:$0x3FFD];
	_ =	sdelay $0x3  }
0x9c: {  	_ =	strace s3  }
0x9d: {  	_ =	strace $0x8FFFFFFF  }
0x9e: {  	s18 =	sld [smem:$0x3FDB];
	_ =	sdelay $0x1  }
0x9f: {  	s19 =	simm.s32 $_scs_section_size  }
0xa0: {  	s5 =	simm.s32 $_size__tile_overlayer_lowered;
	s6 =	simm.s32 $_tile_overlayer_lowered  }
0xa1: {  	s22 =	simm.s32 $0x1BFF;
	s21 =	sshll.u32 s6, $0x1;
	s3 =	sadd.s32 s19, s18  }
0xa2: {  	s7 =	simm.s32 $0x0;
	s20 =	sshll.u32 s5, $0x1;
	s5 =	sadd.s32 s21, s3  }
0xa3: {  	[timem:s7], [sflag:s22] =	dma.local [hbm:s5], s20  }
0xa4: {  	_ =	swait.ge [sflag:s22], s20  }
0xa5: {  	s4 =	ssub.s32 $0x0, s20;
	[sflag:s22] =	ssyncset.done $0x0  }
0xa6: {  	[sflag:s22] =	ssyncadd.s32 s4;
	_ =	sdelay $0x1  }
0xa7: {  	s23 =	simm.s32 $0x1B8B  }
0xa8: {  	_ =	swait.ge [sflag:s23], $0x1  }
0xa9: {  	[sflag:s23] =	ssyncset.done $0x0  }
0xaa: {  	s25 =	simm.s32 $0x1B8E;
	s24 =	sld [smem:$0x3FFE];
	[sflag:s23] =	ssyncadd.s32 $0xFFFFFFFF  }
0xab: {  	s26 =	simm.s32 $execute0_lowered;
	[smem:$0x3FD2] =	sst s25  }
0xac: {  	s5 =	sshll.u32 s26, $0x1;
	_ =	strace $0x80000046;
	[dreg:$0x1] =	wrdreg $0xFFFFFFFF  }
0xad: {  	s28 =	simm.s32 $_size_execute0_lowered;
	s3 =	sadd.s32 s3, s5;
	[dreg:$0x0] =	wrdreg $0x0  }
0xae: {  	s5 =	sshll.u32 s28, $0x1;
	[dreg:$0x2] =	wrdreg s3  }
0xaf: {  	[dreg:$0x3] =	wrdreg s5  }
0xb0: {  	[dreg:$0x4] =	wrdreg $0xC0  }
0xb1: {  	_ =	task [dreg:s7], $0x5FFFF  }
0xb2: {  	[dreg:$0x1] =	wrdreg $0xFFFFFFFF  }
0xb3: {  	[dreg:$0x0] =	wrdreg $0x60  }
0xb4: {  	[dreg:$0x2] =	wrdreg s24  }
0xb5: {  	[dreg:$0x3] =	wrdreg s16  }
0xb6: {  	[dreg:$0x4] =	wrdreg $0x2F800  }
0xb7: {  	[dreg:$0x5] =	wrdreg $0x9  }
0xb8: {  	_ =	task.clear_ibuf [dreg:s7], $0x6FFFF;
	_ =	strace $0x90000046  }
0xb9: {  	s29 =	simm.s32 $0x9;
	_ =	strace $0x80000048  }
0xba: {  	_ =	swait.ge [sflag:s29], $0x1  }
0xbb: {  	[sflag:s29] =	ssyncadd.s32 $0xFFFFFFFF  }
0xbc: {  	_ =	strace $0x90000048  }
0xbd: {  	_ =	sfence  }
0xbe: {  	s30 =	sld [smem:$0x0];
	_ =	sdelay $0x2  }
0xbf: {  	s31 =	sshll.u32 s1, $0xD;
	s1 =	sshrl.u32 s1, $0x2  }
0xc0: {  	s3 =	sand.u32 $0x4000, s31;
	s1 =	sadd.s32 s1, s30  }
0xc1: {  	s0 =	sor.u32 s3, s0;
	s1 =	sshll.u32 s1, $0x11  }
0xc2: {  	s0 =	sor.u32 s1, s0  }
0xc3: {  	s0 =	sadd.s32 $0x8F2B, s0  }
0xc4: {  	[sflag:s0] =	ssyncadd.remote.s32 $0x1  }
0xc5: {  	_ =	sfence.sel $0xFFFF  }
0xc6: {  	[dreg:$0x0] =	wrdreg $0xFFFFFFFF;
	(pc) =	sbr.abs _section_cstart, $3  }
0xc7: {  	[dreg:$0x1] =	wrdreg $0xFFFFFFFF  }
0xc8: {  	_ =	task.clear_ibuf [dreg:s7], $0x2FFFF;
	_ =	strace $0x9FFFFFFF  }
0xc9: {  	(tm) =	ssettm $0x7FFFFFFF  }
tec
execute0_lowered:
.L_overlay_start_1:
0x0: {  	(tag) =	ssettag $0x1  }
0x1: {  	s6 =	rddreg [dreg:$0x0]  }
0x2: {  	s0 =	srdreg.scid;
	s2 =	rddreg [dreg:$0x1]  }
0x3: {  	s3 =	rddreg [dreg:$0x2];
	s4 =	simm.s32 $0x0;
	s13 =	simm.s32 $0x80  }
0x4: {  	s14 =	simm.s32 $0x0;
	s5 =	sand.u32 $0x1, s0;
	s0 =	stileid.u32  }
0x5: {  	[smem:$0x7FF] =	sst s4;
	s1 =	sshll.u32 s5, $0x4;
	s8 =	smul.u32 $0x2800, s0  }
0x6: {  	s9 =	smul.u32 $0x28000, s5;
	s5 =	ssub.s32 $0x2, s5;
	s1 =	sor.u32 s0, s1  }
0x7: {  	s31 =	sshll.u32 s0, $0x6;
	s11 =	sshrl.u32 s5, $0x1;
	s7 =	smul.u32 $0x4F0, s1  }
0x8: {  	s1 =	rddreg [dreg:$0x3];
	_ =	strace $0x80000047;
	s9 =	sadd.s32 s8, s9  }
0x9: {  	s10 =	sshrl.u32 s8, $0x3;
	s11 =	ssub.s32 s5, s11;
	s12 =	sadd.s32 s8, s3  }
0xa: {  	s9 =	sshrl.u32 s9, $0x3;
	s10 =	sadd.s32 s10, s6;
	s8 =	smax.u32 s11, $0x1  }
0xb: {  	s11 =	sor.u32 $0x1C01, s31;
	s12 =	sshrl.u32 s12, $0x3;
	s7 =	sadd.s32 s7, s6  }
0xc: {  	s9 =	sadd.s32 s9, s6;
	s6 =	sadd.s32 $0xCE00, s10;
	s10 =	simm.s32 $0x2780  }
0xd: {  	s5 =	sadd.s32 $0x3000, s7;
	s7 =	sadd.s32 $0x11E00, s9;
	s9 =	simm.s32 $0x1  }
.LBB2_1:
0xe: {  	[tilespmem:s4], [sflag:$0x1] =	stream.linear.gather [hbm4b:s5+s4], $0x2780, $0x38;
	[tilespmem:$0x5780] =	vst v63  }
0xf: {  	_ =	swait.ge [sflag:s9], $0x2780  }
0x10: {  	[sflag:s9] =	ssyncset.done $0x0  }
0x11: {  	[sflag:s9] =	ssyncadd.s32 $0xFFFFD880  }
0x12: {  	[tilespmem:s10], [sflag:$0x1] =	stream.linear.gather [hbm4b:s2+s4], $0x800, $0x38;
	[tilespmem:$0x5780] =	vst v63  }
0x13: {  	_ =	swait.ge [sflag:s9], $0x800  }
0x14: {  	[sflag:s9] =	ssyncset.done $0x0  }
0x15: {  	[sflag:s9] =	ssyncadd.s32 $0xFFFFF800  }
0x16: {  	[spmem:s12], [sflag:s11] =	dma.local [hbm:s6], $0x500  }
0x17: {  	_ =	swait.ge [sflag:s9], $0x500  }
0x18: {  	[sflag:s9] =	ssyncset.done $0x0  }
0x19: {  	[sflag:s9] =	ssyncadd.s32 $0xFFFFFB00  }
0x1a: {  	s15 =	simm.s32 $0x0;
	[bflag:$0x0] =	sbarrier.arrive $0xFFFF  }
0x1b: {  	[spmem:s3] =	stream.indirect.scatter.add.f32 [tilespmem:s10], [sflag:$0x1], $0x10, s15, s13, $0xb8;
	[tilespmem:$0x5780] =	vst v63  }
0x1c: {  	_ =	swait.ge [sflag:s9], $0x800  }
0x1d: {  	s15 =	simm.s32 $0x200;
	[sflag:s9] =	ssyncset.done $0x0  }
.LBB2_2:
0x1e: {  	s16 =	sshra.s32 s15, $0x2;
	[sflag:s9] =	ssyncadd.s32 $0xFFFFF800;
	p0 =	sne.s32 s15, $0x9C00  }
0x1f: {  	[spmem:s3] =	stream.indirect.scatter.add.f32 [tilespmem:s10], [sflag:$0x1], $0x10, s16, s13, $0xb8;
	[tilespmem:$0x5780] =	vst v63  }
.Ltmp0:
0x20: {  	_ = 	snop;
	(pc) =	sbr.rel @p0 .LBB2_2-.Ltmp0, $4  }
0x21: {  	_ = 	snop  }
0x22: {  	s15 =	sadd.s32 $0x200, s15  }
0x23: {  	_ =	swait.ge [sflag:s9], $0x800  }
0x24: {  	[sflag:s9] =	ssyncset.done $0x0  }
0x25: {  	s14 =	sadd.s32 $0x1, s14  }
0x26: {  	[sflag:s9] =	ssyncadd.s32 $0xFFFFF800;
	p0 =	sne.s32 s14, s8  }
.Ltmp1:
0x27: {  	[bflag:$0x0] =	sbarrier.arrive $0xFFFF;
	(pc) =	sbr.rel @p0 .LBB2_1-.Ltmp1, $4  }
0x28: {  	[hbm:s7], [sflag:s11] =	dma.local [spmem:s12], $0x500  }
0x29: {  	_ =	swait.ge [sflag:s9], $0x500  }
0x2a: {  	[sflag:s9] =	ssyncset.done $0x0  }
0x2b: {  	[sflag:s9] =	ssyncadd.s32 $0xFFFFFB00  }
0x2c: {  	_ =	sfence.sel $0x180000  }
0x2d: {  	[bflag:$0x0] =	sbarrier.arrive $0xFFFF  }
0x2e: {  	p0 =	sne.s32 s0, $0x0;
	_ =	strace $0x90000047  }
0x2f: {  	s0 =	sadd.s32 @!p0 $0x100000, s1;
	[bflag:$0x2] =	sbarrier.arrive $0xFFFF  }
0x30: {  	[sflag:s0] =	ssyncadd.tile.s32 @!p0 $0x1;
	_ =	shalt  }
.Lfunc_end2:
_tile_overlayer_lowered:
.L_overlay_start_2:
0x31: {  	(tag) =	ssettag $0x2  }
0x32: {  	s0 =	rddreg [dreg:$0x0];
	s2 =	stileid.u32  }
0x33: {  	s1 =	rddreg [dreg:$0x1];
	p0 =	sne.s32 s2, $0x0  }
0x34: {  	s3 =	rddreg [dreg:$0x2];
	[bflag:$0x3] =	sbarrier.arrive $0xFFFF;
	s2 =	simm.s32 @!p0 $0x1C01  }
0x35: {  	[timem:s3], [sflag:s2] =	dma.local @!p0 [hbm:s0], s1  }
0x36: {  	s0 =	simm.s32 @!p0 $0x1  }
0x37: {  	_ =	swait.ge @!p0 [sflag:s0], s1  }
0x38: {  	s1 =	ssub.s32 @!p0 $0x0, s1;
	[sflag:s0] =	ssyncset.done @!p0 $0x0  }
0x39: {  	[sflag:s0] =	ssyncadd.s32 @!p0 s1  }
0x3a: {  	[bflag:$0x3] =	sbarrier.arrive $0xFFFF  }
0x3b: {  	_ =	shalt  }

</sc_bundles>
